<compile_context>
chip_gen: v7x
topology: tpu7x:2x2x1
jax: 0.10.2.dev20260603
libtpu: 0.0.44.dev20260713+nightly
codegen_flags: <defaults>
</compile_context>

<pallas_src>
import functools

import numpy as np


def _Z():
    import jax.numpy as _jnp
    return _jnp.int32(0)

import jax
import jax.numpy as jnp
from jax import lax
from jax.experimental import pallas as pl
from jax.experimental.pallas import tpu as pltpu
from jax.experimental.pallas import tpu_sc as plsc


def _mlp_body(x_ref, w0_ref, w1_ref, w2_ref, o_ref):
    f32 = jnp.float32
    h = jnp.maximum(jnp.dot(x_ref[...], w0_ref[...], preferred_element_type=f32), 0.0)
    h = jnp.maximum(jnp.dot(h, w1_ref[...], preferred_element_type=f32), 0.0)
    o_ref[...] = jnp.dot(h, w2_ref[...], preferred_element_type=f32)


def _mlp(X, W0, W1, W2, block_rows=2000, interpret=False):
    N, D = X.shape
    H0 = W0.shape[1]
    H1 = W1.shape[1]
    C = W2.shape[1]
    assert N % block_rows == 0
    return pl.pallas_call(
        _mlp_body,
        grid=(N // block_rows,),
        in_specs=[
            pl.BlockSpec((block_rows, D), lambda i: (i, _Z())),
            pl.BlockSpec((D, H0), lambda i: (_Z(), _Z())),
            pl.BlockSpec((H0, H1), lambda i: (_Z(), _Z())),
            pl.BlockSpec((H1, C), lambda i: (_Z(), _Z())),
        ],
        out_specs=pl.BlockSpec((block_rows, C), lambda i: (i, _Z())),
        out_shape=jax.ShapeDtypeStruct((N, C), jnp.float32),
        interpret=interpret,
    )(X, W0, W1, W2)


def _sc_gather(logits, idx):
    T = idx.shape[0]
    C = logits.shape[1]
    info = plsc.get_sparse_core_info()
    NC, NS = info.num_cores, info.num_subcores
    NW = NC * NS
    assert T % (8 * NW) == 0
    per_w = T // NW
    CH = 128
    assert per_w % CH == 0
    n_it = per_w // CH

    mesh = plsc.VectorSubcoreMesh(core_axis_name="c", subcore_axis_name="s")

    NBUF = 4
    assert n_it % NBUF == 0 and n_it // NBUF >= 2

    @functools.partial(
        pl.kernel,
        out_type=jax.ShapeDtypeStruct((T, C), jnp.float32),
        mesh=mesh,
        compiler_params=pltpu.CompilerParams(use_tc_tiling_on_sc=False),
        scratch_types=[
            pltpu.VMEM((per_w,), jnp.int32),
            [pltpu.VMEM((CH, C), jnp.float32) for _ in range(NBUF)],
            [pltpu.SemaphoreType.DMA for _ in range(NBUF)],
            [pltpu.SemaphoreType.DMA for _ in range(NBUF)],
        ],
    )
    def gather_kernel(logits_hbm, idx_hbm, out_hbm, idx_v, rows, gsem, ssem):
        i32 = jnp.int32
        wid = lax.axis_index("s") * i32(NC) + lax.axis_index("c")
        base = wid * i32(per_w)
        pltpu.sync_copy(idx_hbm.at[pl.ds(base, per_w)], idx_v)

        def fire_gather(j, b):
            pltpu.async_copy(
                logits_hbm.at[idx_v.at[pl.ds(j * i32(CH), CH)]], rows[b], gsem[b]
            )

        def wait_gather(b):
            pltpu.make_async_copy(
                logits_hbm.at[pl.ds(i32(0), CH)], rows[b], gsem[b]
            ).wait()

        def fire_store(j, b):
            pltpu.async_copy(
                rows[b], out_hbm.at[pl.ds(base + j * i32(CH), CH)], ssem[b]
            )

        def wait_store(b):
            pltpu.make_async_copy(
                rows[b], out_hbm.at[pl.ds(i32(0), CH)], ssem[b]
            ).wait()

        for b in range(NBUF):
            fire_gather(i32(b), b)

        n_grp = n_it // NBUF

        @pl.loop(i32(0), i32(n_grp - 1))
        def body(gi):
            j0 = gi * i32(NBUF)
            for b in range(NBUF):
                wait_gather(b)
                fire_store(j0 + i32(b), b)
            for b in range(NBUF):
                wait_store(b)
                fire_gather(j0 + i32(NBUF + b), b)

        j0 = i32(n_it - NBUF)
        for b in range(NBUF):
            wait_gather(b)
            fire_store(j0 + i32(b), b)
        for b in range(NBUF):
            wait_store(b)

    return gather_kernel(logits, idx)


def _medoid_body(n_ref, v_ref, vc_ref, tie_ref, selm_ref, o_ref, *, k, nnz, rows_per_step):
    f32 = jnp.float32
    bb = rows_per_step
    C = n_ref.shape[1]
    R = bb * nnz
    J = 2 * nnz

    nf = n_ref[...]
    v = v_ref[...]
    vcol = vc_ref[...]

    ones_c = jnp.ones((1, C), f32)
    ones_j = jnp.ones((1, J), f32)

    parts = []
    for g in range(bb // 2):
        sub = lax.slice(nf, (g * J, 0), ((g + 1) * J, C))
        parts.append(
            lax.dot_general(
                sub, sub, (((1,), (1,)), ((), ())), preferred_element_type=f32
            )
        )
    cross = jnp.concatenate(parts, axis=0)

    sq = nf * nf
    nn_col = lax.dot_general(
        sq, ones_c, (((1,), (1,)), ((), ())), preferred_element_type=f32
    )
    nn_lane = nn_col.reshape(bb, nnz)
    nnr2 = jnp.concatenate([nn_lane, nn_lane], axis=1)
    nnr = jnp.broadcast_to(nnr2[:, None, :], (bb, nnz, J)).reshape(R, J)

    zv = jnp.zeros_like(v)
    v_left = jnp.concatenate([v, zv], axis=1)
    v_right = jnp.concatenate([zv, v], axis=1)
    par_b = lax.broadcasted_iota(jnp.int32, (bb, 1), 0) % 2
    vsel = jnp.where(par_b == 1, v_right, v_left)
    vj = jnp.broadcast_to(vsel[:, None, :], (bb, nnz, J)).reshape(R, J)

    dist = jnp.sqrt(jnp.maximum(nn_col + nnr - 2.0 * cross, 0.0) + 1e-12)
    d_col = lax.dot_general(
        vj * dist, ones_j, (((1,), (1,)), ((), ())), preferred_element_type=f32
    )

    tie = tie_ref[...]
    one_f = jnp.ones((), f32)
    zero_f = jnp.zeros((), f32)
    beats = jnp.where(vj > vcol, one_f, jnp.where(vj == vcol, tie, zero_f))
    rank_col = lax.dot_general(
        beats, ones_j, (((1,), (1,)), ((), ())), preferred_element_type=f32
    )
    sel = (rank_col < float(k)) & (vcol > 0.0)

    rs = jnp.sum(v, axis=1, keepdims=True)
    rinv = 1.0 / rs
    rinv_col = jnp.broadcast_to(rinv[:, None, :], (bb, nnz, 1)).reshape(R, 1)
    z = jnp.maximum(-d_col * rinv_col, -70.0)
    ew = jnp.where(sel, jnp.exp(z), zero_f) * vcol

    selm = selm_ref[...]
    nfw = ew * nf
    out_raw = lax.dot_general(
        selm, nfw, (((1,), (0,)), ((), ())), preferred_element_type=f32
    )
    sew = lax.dot_general(
        selm, ew, (((1,), (0,)), ((), ())), preferred_element_type=f32
    )
    o_ref[...] = out_raw * (rs / sew)


def _medoid(neigh_flat, ppr_values, k, rows_per_step=64, interpret=False):
    Bn, C = neigh_flat.shape
    B, nnz = ppr_values.shape
    assert Bn == B * nnz and B % rows_per_step == 0
    body = functools.partial(
        _medoid_body, k=k, nnz=nnz, rows_per_step=rows_per_step
    )
    v_col = ppr_values.reshape(B * nnz, 1)
    R = rows_per_step * nnz
    J = 2 * nnz
    ii = np.arange(R)[:, None] % nnz
    pp = (np.arange(R)[:, None] // nnz) % 2
    ll = np.arange(J)[None, :]
    jjn = ll - nnz * pp
    tie_np = ((ll // nnz == pp) & (jjn < ii)).astype(np.float32)
    selm_np = np.repeat(np.eye(rows_per_step, dtype=np.float32), nnz, axis=1)
    return pl.pallas_call(
        body,
        grid=(B // rows_per_step,),
        in_specs=[
            pl.BlockSpec((R, C), lambda i: (i, _Z())),
            pl.BlockSpec((rows_per_step, nnz), lambda i: (i, _Z())),
            pl.BlockSpec((R, 1), lambda i: (i, _Z())),
            pl.BlockSpec((R, J), lambda i: (_Z(), _Z())),
            pl.BlockSpec((rows_per_step, R), lambda i: (_Z(), _Z())),
        ],
        out_specs=pl.BlockSpec((rows_per_step, C), lambda i: (i, _Z())),
        out_shape=jax.ShapeDtypeStruct((B, C), jnp.float32),
        interpret=interpret,
    )(neigh_flat, ppr_values, v_col, jnp.asarray(tie_np), jnp.asarray(selm_np))


def kernel(X, ppr_indices, ppr_values, W0, W1, W2):
    out_dtype = jnp.result_type(X.dtype, W0.dtype, ppr_values.dtype)
    logits = _mlp(
        X.astype(jnp.float32),
        W0.astype(jnp.float32),
        W1.astype(jnp.float32),
        W2.astype(jnp.float32),
    )
    idx = ppr_indices.reshape(-1).astype(jnp.int32)
    neigh_flat = _sc_gather(logits, idx)
    out = _medoid(neigh_flat, ppr_values.astype(jnp.float32), k=32)
    return out.astype(out_dtype)

# --- scband reference (transcript-rebuilt; emitter-appended) ---
"""Pipeline reference for scband-robust-pprgo-45870250721440 (READ-ONLY COPY).

The authoritative reference and input builder live on the scoring server;
editing this copy changes nothing except your own understanding.
"""

import jax, jax.numpy as jnp
import numpy as np
jax.config.update('jax_enable_x64', True)

N = 100000   # num ppr nodes
D = 128      # num_features
H = 128      # hidden_size
C = 64       # num_classes
B = 4096     # batch of training nodes (ppr rows)
NNZ = 64     # nonzeros per ppr row (sparse ppr_scores row width)
K = 32       # soft_k_medoid k
TEMP = 1.0

def setup_inputs(seed: int = 0) -> dict:
    key = jax.random.key(seed)
    ks = jax.random.split(key, 6)
    X = jax.random.normal(ks[0], (N, D), dtype=jnp.float32)
    ppr_indices = jax.random.randint(ks[1], (B, NNZ), 0, N, dtype=jnp.int64)
    ppr_values = jax.random.uniform(ks[2], (B, NNZ), dtype=jnp.float32)
    W0 = jax.random.normal(ks[3], (D, H), dtype=jnp.float32) / np.sqrt(D)
    W1 = jax.random.normal(ks[4], (H, H), dtype=jnp.float32) / np.sqrt(H)
    W2 = jax.random.normal(ks[5], (H, C), dtype=jnp.float32) / np.sqrt(H)
    return {"X": X, "ppr_indices": ppr_indices, "ppr_values": ppr_values,
            "W0": W0, "W1": W1, "W2": W2}

def reference(X, ppr_indices, ppr_values, W0, W1, W2):
    # PPRGoMLP (eval mode: dropout = identity, bias-free linears, no batch norm)
    h = jnp.maximum(X @ W0, 0.0)
    h = jnp.maximum(h @ W1, 0.0)
    logits = h @ W2  # [N, C]
    # soft_weighted_medoid_k_neighborhood(ppr_scores, logits, k=K, temperature=TEMP,
    #                                     with_weight_correction=True)
    # candidates: top-k neighbors per row by ppr weight (within the sparse row)
    top_w, top_pos = jax.lax.top_k(ppr_values, K)                    # [B, K]
    cand_idx = jnp.take_along_axis(ppr_indices, top_pos, axis=1)     # [B, K]
    neigh = jnp.take(logits, ppr_indices, axis=0)                    # [B, NNZ, C]
    cand = jnp.take(logits, cand_idx, axis=0)                        # [B, K, C]
    # weighted L2 distance of each candidate medoid to all neighbors in the row
    cn = jnp.sum(cand * cand, axis=-1)[:, :, None]                   # [B, K, 1]
    nn_ = jnp.sum(neigh * neigh, axis=-1)[:, None, :]                # [B, 1, NNZ]
    cross = jnp.einsum('bkc,bnc->bkn', cand, neigh)                  # [B, K, NNZ]
    dist = jnp.sqrt(jnp.maximum(cn + nn_ - 2.0 * cross, 0.0) + 1e-12)
    distances = jnp.sum(ppr_values[:, None, :] * dist, axis=-1)      # [B, K]
    distances = jnp.where(top_w == 0.0, jnp.inf, distances)
    row_sum = jnp.sum(ppr_values, axis=-1, keepdims=True)            # [B, 1]
    sm = jax.nn.softmax(-distances / (TEMP * row_sum), axis=-1)      # [B, K]
    # with_weight_correction=True
    w = sm * top_w
    w = w / jnp.sum(w, axis=-1, keepdims=True)
    out = row_sum * jnp.einsum('bk,bkc->bc', w, cand)                # [B, C]
    return out

if __name__ == "__main__":
    import jax
    _d = setup_inputs()
    print(jax.jit(kernel)(*tuple(_d.values())))

</pallas_src>

<mosaic_0001>
#map = affine_map<(d0, d1) -> (0, 0)>
#map1 = affine_map<(d0, d1) -> (0)>
module attributes {stable_mosaic.version = 14 : i64} {
  func.func @gather_kernel(%arg0: i32, %arg1: i32, %arg2: memref<100000x64xf32, #tpu.memory_space<hbm>>, %arg3: memref<262144xi32, #tpu.memory_space<hbm>>, %arg4: memref<262144x64xf32, #tpu.memory_space<hbm>>, %arg5: memref<8192xi32, #tpu.memory_space<vmem>>, %arg6: memref<128x64xf32, #tpu.memory_space<vmem>>, %arg7: memref<128x64xf32, #tpu.memory_space<vmem>>, %arg8: memref<128x64xf32, #tpu.memory_space<vmem>>, %arg9: memref<128x64xf32, #tpu.memory_space<vmem>>, %arg10: memref<!tpu.dma_semaphore, #tpu.memory_space<semaphore_mem>>, %arg11: memref<!tpu.dma_semaphore, #tpu.memory_space<semaphore_mem>>, %arg12: memref<!tpu.dma_semaphore, #tpu.memory_space<semaphore_mem>>, %arg13: memref<!tpu.dma_semaphore, #tpu.memory_space<semaphore_mem>>, %arg14: memref<!tpu.dma_semaphore, #tpu.memory_space<semaphore_mem>>, %arg15: memref<!tpu.dma_semaphore, #tpu.memory_space<semaphore_mem>>, %arg16: memref<!tpu.dma_semaphore, #tpu.memory_space<semaphore_mem>>, %arg17: memref<!tpu.dma_semaphore, #tpu.memory_space<semaphore_mem>>) attributes {dimension_semantics = [#tpu.dimension_semantics<core_parallel>, #tpu.dimension_semantics<subcore_parallel>], iteration_bounds = array<i64: 2, 16>, scalar_prefetch = 0 : i64, scratch_operands = 13 : i64, tpu.core_type = #tpu.core_type<sc_vector_subcore>, window_params = [{transform_indices = #map}, {transform_indices = #map1}, {transform_indices = #map}]} {
    %mul3A = arith.constant 2 : i32
    %mul3A_0 = arith.muli %arg1, %mul3A : i32
    %add3A = arith.addi %mul3A_0, %arg0 : i32
    %mul3A_1 = arith.constant 8192 : i32
    %mul3A_2 = arith.muli %add3A, %mul3A_1 : i32
    "tpu.region"() ({
      %run_scoped3A = tpu.sem_alloc : memref<!tpu.dma_semaphore, #tpu.memory_space<semaphore_mem>>
      %dma_start3A_126 = tpu.memref_slice %arg3[%mul3A_2] : memref<262144xi32, #tpu.memory_space<hbm>> -> memref<8192xi32, #tpu.memory_space<hbm>>
      %dma_start3A_127 = tpu.memref_slice %arg3[%mul3A_2] : memref<262144xi32, #tpu.memory_space<hbm>> -> memref<8192xi32, #tpu.memory_space<hbm>>
      tpu.enqueue_dma source(%dma_start3A_127 : memref<8192xi32, #tpu.memory_space<hbm>>) target(%arg5 : memref<8192xi32, #tpu.memory_space<vmem>>) target_semaphore(%run_scoped3A : memref<!tpu.dma_semaphore, #tpu.memory_space<semaphore_mem>>)
      %dma_wait3A_128 = tpu.memref_slice %arg3[%mul3A_2] : memref<262144xi32, #tpu.memory_space<hbm>> -> memref<8192xi32, #tpu.memory_space<hbm>>
      %dma_wait3A_129 = tpu.memref_slice %arg3[%mul3A_2] : memref<262144xi32, #tpu.memory_space<hbm>> -> memref<8192xi32, #tpu.memory_space<hbm>>
      tpu.wait_dma2 semaphore(%run_scoped3A : memref<!tpu.dma_semaphore, #tpu.memory_space<semaphore_mem>>) src(%dma_wait3A_129 : memref<8192xi32, #tpu.memory_space<hbm>>) dst(%arg5 : memref<8192xi32, #tpu.memory_space<vmem>>)
      tpu.yield
    }) : () -> ()
    %mul3A_3 = arith.constant 0 : i32
    %mul3A_4 = arith.constant 128 : i32
    %mul3A_5 = arith.muli %mul3A_3, %mul3A_4 : i32
    %dma_start3A = tpu.memref_slice %arg5[%mul3A_5] : memref<8192xi32, #tpu.memory_space<vmem>> -> memref<128xi32, #tpu.memory_space<vmem>>
    %dma_start3A_6 = arith.constant 0 : i32
    %dma_start3A_7 = arith.constant 0 : i32
    %dma_start3A_8 = tpu.memref_slice %arg2[%dma_start3A_6, %dma_start3A_7] : memref<100000x64xf32, #tpu.memory_space<hbm>> -> memref<100000x64xf32, #tpu.memory_space<hbm>>
    tpu.enqueue_indirect_dma source(%dma_start3A_8 : memref<100000x64xf32, #tpu.memory_space<hbm>>) target(%arg6 : memref<128x64xf32, #tpu.memory_space<vmem>>) offsets(%dma_start3A : memref<128xi32, #tpu.memory_space<vmem>>) semaphore(%arg10 : memref<!tpu.dma_semaphore, #tpu.memory_space<semaphore_mem>>)
    %mul3A_9 = arith.constant 1 : i32
    %mul3A_10 = arith.constant 128 : i32
    %mul3A_11 = arith.muli %mul3A_9, %mul3A_10 : i32
    %dma_start3A_12 = tpu.memref_slice %arg5[%mul3A_11] : memref<8192xi32, #tpu.memory_space<vmem>> -> memref<128xi32, #tpu.memory_space<vmem>>
    %dma_start3A_13 = arith.constant 0 : i32
    %dma_start3A_14 = arith.constant 0 : i32
    %dma_start3A_15 = tpu.memref_slice %arg2[%dma_start3A_13, %dma_start3A_14] : memref<100000x64xf32, #tpu.memory_space<hbm>> -> memref<100000x64xf32, #tpu.memory_space<hbm>>
    tpu.enqueue_indirect_dma source(%dma_start3A_15 : memref<100000x64xf32, #tpu.memory_space<hbm>>) target(%arg7 : memref<128x64xf32, #tpu.memory_space<vmem>>) offsets(%dma_start3A_12 : memref<128xi32, #tpu.memory_space<vmem>>) semaphore(%arg11 : memref<!tpu.dma_semaphore, #tpu.memory_space<semaphore_mem>>)
    %mul3A_16 = arith.constant 2 : i32
    %mul3A_17 = arith.constant 128 : i32
    %mul3A_18 = arith.muli %mul3A_16, %mul3A_17 : i32
    %dma_start3A_19 = tpu.memref_slice %arg5[%mul3A_18] : memref<8192xi32, #tpu.memory_space<vmem>> -> memref<128xi32, #tpu.memory_space<vmem>>
    %dma_start3A_20 = arith.constant 0 : i32
    %dma_start3A_21 = arith.constant 0 : i32
    %dma_start3A_22 = tpu.memref_slice %arg2[%dma_start3A_20, %dma_start3A_21] : memref<100000x64xf32, #tpu.memory_space<hbm>> -> memref<100000x64xf32, #tpu.memory_space<hbm>>
    tpu.enqueue_indirect_dma source(%dma_start3A_22 : memref<100000x64xf32, #tpu.memory_space<hbm>>) target(%arg8 : memref<128x64xf32, #tpu.memory_space<vmem>>) offsets(%dma_start3A_19 : memref<128xi32, #tpu.memory_space<vmem>>) semaphore(%arg12 : memref<!tpu.dma_semaphore, #tpu.memory_space<semaphore_mem>>)
    %mul3A_23 = arith.constant 3 : i32
    %mul3A_24 = arith.constant 128 : i32
    %mul3A_25 = arith.muli %mul3A_23, %mul3A_24 : i32
    %dma_start3A_26 = tpu.memref_slice %arg5[%mul3A_25] : memref<8192xi32, #tpu.memory_space<vmem>> -> memref<128xi32, #tpu.memory_space<vmem>>
    %dma_start3A_27 = arith.constant 0 : i32
    %dma_start3A_28 = arith.constant 0 : i32
    %dma_start3A_29 = tpu.memref_slice %arg2[%dma_start3A_27, %dma_start3A_28] : memref<100000x64xf32, #tpu.memory_space<hbm>> -> memref<100000x64xf32, #tpu.memory_space<hbm>>
    tpu.enqueue_indirect_dma source(%dma_start3A_29 : memref<100000x64xf32, #tpu.memory_space<hbm>>) target(%arg9 : memref<128x64xf32, #tpu.memory_space<vmem>>) offsets(%dma_start3A_26 : memref<128xi32, #tpu.memory_space<vmem>>) semaphore(%arg13 : memref<!tpu.dma_semaphore, #tpu.memory_space<semaphore_mem>>)
    %sub3A = arith.constant 15 : i32
    %sub3A_30 = arith.constant 0 : i32
    %sub3A_31 = arith.subi %sub3A, %sub3A_30 : i32
    %sub3A_32 = arith.constant 1 : i32
    %sub3A_33 = arith.constant 1 : i32
    %sub3A_34 = arith.subi %sub3A_32, %sub3A_33 : i32
    %add3A_35 = arith.addi %sub3A_31, %sub3A_34 : i32
    %div3A = arith.constant 1 : i32
    %div3A_36 = arith.divsi %add3A_35, %div3A : i32
    %while3A = arith.constant 1 : i32
    %while3A_37 = arith.constant 0 : i32
    %while3A_38 = arith.constant 0 : i32
    %while3A_39 = arith.subi %div3A_36, %while3A_38 : i32
    %while3A_40 = arith.addi %while3A_38, %while3A_39 : i32
    %while3A_41 = arith.constant 1 : i32
    %while3A_42 = arith.divsi %while3A_39, %while3A_41 : i32
    %while3A_43 = arith.muli %while3A_42, %while3A_41 : i32
    %while3A_44 = arith.addi %while3A_38, %while3A_43 : i32
    %while3A_45 = arith.constant 1 : i32
    scf.for %while3A_126 = %while3A_38 to %while3A_44 step %while3A_45  : i32 {
      %mul3A_127 = arith.muli %while3A_126, %while3A : i32
      %add3A_128 = arith.addi %while3A_37, %mul3A_127 : i32
      %mul3A_129 = arith.constant 4 : i32
      %mul3A_130 = arith.muli %add3A_128, %mul3A_129 : i32
      %dma_wait3A_131 = arith.constant 0 : i32
      %dma_wait3A_132 = arith.constant 0 : i32
      %dma_wait3A_133 = tpu.memref_slice %arg2[%dma_wait3A_131, %dma_wait3A_132] : memref<100000x64xf32, #tpu.memory_space<hbm>> -> memref<128x64xf32, #tpu.memory_space<hbm>>
      %dma_wait3A_134 = arith.constant 0 : i32
      %dma_wait3A_135 = tpu.memref_slice %arg2[%dma_wait3A_131, %dma_wait3A_134] : memref<100000x64xf32, #tpu.memory_space<hbm>> -> memref<128x64xf32, #tpu.memory_space<hbm>>
      tpu.wait_dma2 semaphore(%arg10 : memref<!tpu.dma_semaphore, #tpu.memory_space<semaphore_mem>>) src(%dma_wait3A_135 : memref<128x64xf32, #tpu.memory_space<hbm>>) dst(%arg6 : memref<128x64xf32, #tpu.memory_space<vmem>>)
      %add3A_136 = arith.constant 0 : i32
      %add3A_137 = arith.addi %mul3A_130, %add3A_136 : i32
      %mul3A_138 = arith.constant 128 : i32
      %mul3A_139 = arith.muli %add3A_137, %mul3A_138 : i32
      %add3A_140 = arith.addi %mul3A_2, %mul3A_139 : i32
      %dma_start3A_141 = arith.constant 0 : i32
      %dma_start3A_142 = tpu.memref_slice %arg4[%add3A_140, %dma_start3A_141] : memref<262144x64xf32, #tpu.memory_space<hbm>> -> memref<128x64xf32, #tpu.memory_space<hbm>>
      %dma_start3A_143 = arith.constant 0 : i32
      %dma_start3A_144 = tpu.memref_slice %arg4[%add3A_140, %dma_start3A_143] : memref<262144x64xf32, #tpu.memory_space<hbm>> -> memref<128x64xf32, #tpu.memory_space<hbm>>
      tpu.enqueue_dma source(%arg6 : memref<128x64xf32, #tpu.memory_space<vmem>>) target(%dma_start3A_144 : memref<128x64xf32, #tpu.memory_space<hbm>>) target_semaphore(%arg14 : memref<!tpu.dma_semaphore, #tpu.memory_space<semaphore_mem>>)
      %dma_wait3A_145 = arith.constant 0 : i32
      %dma_wait3A_146 = arith.constant 0 : i32
      %dma_wait3A_147 = tpu.memref_slice %arg2[%dma_wait3A_145, %dma_wait3A_146] : memref<100000x64xf32, #tpu.memory_space<hbm>> -> memref<128x64xf32, #tpu.memory_space<hbm>>
      %dma_wait3A_148 = arith.constant 0 : i32
      %dma_wait3A_149 = tpu.memref_slice %arg2[%dma_wait3A_145, %dma_wait3A_148] : memref<100000x64xf32, #tpu.memory_space<hbm>> -> memref<128x64xf32, #tpu.memory_space<hbm>>
      tpu.wait_dma2 semaphore(%arg11 : memref<!tpu.dma_semaphore, #tpu.memory_space<semaphore_mem>>) src(%dma_wait3A_149 : memref<128x64xf32, #tpu.memory_space<hbm>>) dst(%arg7 : memref<128x64xf32, #tpu.memory_space<vmem>>)
      %add3A_150 = arith.constant 1 : i32
      %add3A_151 = arith.addi %mul3A_130, %add3A_150 : i32
      %mul3A_152 = arith.constant 128 : i32
      %mul3A_153 = arith.muli %add3A_151, %mul3A_152 : i32
      %add3A_154 = arith.addi %mul3A_2, %mul3A_153 : i32
      %dma_start3A_155 = arith.constant 0 : i32
      %dma_start3A_156 = tpu.memref_slice %arg4[%add3A_154, %dma_start3A_155] : memref<262144x64xf32, #tpu.memory_space<hbm>> -> memref<128x64xf32, #tpu.memory_space<hbm>>
      %dma_start3A_157 = arith.constant 0 : i32
      %dma_start3A_158 = tpu.memref_slice %arg4[%add3A_154, %dma_start3A_157] : memref<262144x64xf32, #tpu.memory_space<hbm>> -> memref<128x64xf32, #tpu.memory_space<hbm>>
      tpu.enqueue_dma source(%arg7 : memref<128x64xf32, #tpu.memory_space<vmem>>) target(%dma_start3A_158 : memref<128x64xf32, #tpu.memory_space<hbm>>) target_semaphore(%arg15 : memref<!tpu.dma_semaphore, #tpu.memory_space<semaphore_mem>>)
      %dma_wait3A_159 = arith.constant 0 : i32
      %dma_wait3A_160 = arith.constant 0 : i32
      %dma_wait3A_161 = tpu.memref_slice %arg2[%dma_wait3A_159, %dma_wait3A_160] : memref<100000x64xf32, #tpu.memory_space<hbm>> -> memref<128x64xf32, #tpu.memory_space<hbm>>
      %dma_wait3A_162 = arith.constant 0 : i32
      %dma_wait3A_163 = tpu.memref_slice %arg2[%dma_wait3A_159, %dma_wait3A_162] : memref<100000x64xf32, #tpu.memory_space<hbm>> -> memref<128x64xf32, #tpu.memory_space<hbm>>
      tpu.wait_dma2 semaphore(%arg12 : memref<!tpu.dma_semaphore, #tpu.memory_space<semaphore_mem>>) src(%dma_wait3A_163 : memref<128x64xf32, #tpu.memory_space<hbm>>) dst(%arg8 : memref<128x64xf32, #tpu.memory_space<vmem>>)
      %add3A_164 = arith.constant 2 : i32
      %add3A_165 = arith.addi %mul3A_130, %add3A_164 : i32
      %mul3A_166 = arith.constant 128 : i32
      %mul3A_167 = arith.muli %add3A_165, %mul3A_166 : i32
      %add3A_168 = arith.addi %mul3A_2, %mul3A_167 : i32
      %dma_start3A_169 = arith.constant 0 : i32
      %dma_start3A_170 = tpu.memref_slice %arg4[%add3A_168, %dma_start3A_169] : memref<262144x64xf32, #tpu.memory_space<hbm>> -> memref<128x64xf32, #tpu.memory_space<hbm>>
      %dma_start3A_171 = arith.constant 0 : i32
      %dma_start3A_172 = tpu.memref_slice %arg4[%add3A_168, %dma_start3A_171] : memref<262144x64xf32, #tpu.memory_space<hbm>> -> memref<128x64xf32, #tpu.memory_space<hbm>>
      tpu.enqueue_dma source(%arg8 : memref<128x64xf32, #tpu.memory_space<vmem>>) target(%dma_start3A_172 : memref<128x64xf32, #tpu.memory_space<hbm>>) target_semaphore(%arg16 : memref<!tpu.dma_semaphore, #tpu.memory_space<semaphore_mem>>)
      %dma_wait3A_173 = arith.constant 0 : i32
      %dma_wait3A_174 = arith.constant 0 : i32
      %dma_wait3A_175 = tpu.memref_slice %arg2[%dma_wait3A_173, %dma_wait3A_174] : memref<100000x64xf32, #tpu.memory_space<hbm>> -> memref<128x64xf32, #tpu.memory_space<hbm>>
      %dma_wait3A_176 = arith.constant 0 : i32
      %dma_wait3A_177 = tpu.memref_slice %arg2[%dma_wait3A_173, %dma_wait3A_176] : memref<100000x64xf32, #tpu.memory_space<hbm>> -> memref<128x64xf32, #tpu.memory_space<hbm>>
      tpu.wait_dma2 semaphore(%arg13 : memref<!tpu.dma_semaphore, #tpu.memory_space<semaphore_mem>>) src(%dma_wait3A_177 : memref<128x64xf32, #tpu.memory_space<hbm>>) dst(%arg9 : memref<128x64xf32, #tpu.memory_space<vmem>>)
      %add3A_178 = arith.constant 3 : i32
      %add3A_179 = arith.addi %mul3A_130, %add3A_178 : i32
      %mul3A_180 = arith.constant 128 : i32
      %mul3A_181 = arith.muli %add3A_179, %mul3A_180 : i32
      %add3A_182 = arith.addi %mul3A_2, %mul3A_181 : i32
      %dma_start3A_183 = arith.constant 0 : i32
      %dma_start3A_184 = tpu.memref_slice %arg4[%add3A_182, %dma_start3A_183] : memref<262144x64xf32, #tpu.memory_space<hbm>> -> memref<128x64xf32, #tpu.memory_space<hbm>>
      %dma_start3A_185 = arith.constant 0 : i32
      %dma_start3A_186 = tpu.memref_slice %arg4[%add3A_182, %dma_start3A_185] : memref<262144x64xf32, #tpu.memory_space<hbm>> -> memref<128x64xf32, #tpu.memory_space<hbm>>
      tpu.enqueue_dma source(%arg9 : memref<128x64xf32, #tpu.memory_space<vmem>>) target(%dma_start3A_186 : memref<128x64xf32, #tpu.memory_space<hbm>>) target_semaphore(%arg17 : memref<!tpu.dma_semaphore, #tpu.memory_space<semaphore_mem>>)
      %dma_wait3A_187 = arith.constant 0 : i32
      %dma_wait3A_188 = arith.constant 0 : i32
      %dma_wait3A_189 = tpu.memref_slice %arg4[%dma_wait3A_187, %dma_wait3A_188] : memref<262144x64xf32, #tpu.memory_space<hbm>> -> memref<128x64xf32, #tpu.memory_space<hbm>>
      %dma_wait3A_190 = arith.constant 0 : i32
      %dma_wait3A_191 = tpu.memref_slice %arg4[%dma_wait3A_187, %dma_wait3A_190] : memref<262144x64xf32, #tpu.memory_space<hbm>> -> memref<128x64xf32, #tpu.memory_space<hbm>>
      tpu.wait_dma2 semaphore(%arg14 : memref<!tpu.dma_semaphore, #tpu.memory_space<semaphore_mem>>) src(%arg6 : memref<128x64xf32, #tpu.memory_space<vmem>>) dst(%dma_wait3A_191 : memref<128x64xf32, #tpu.memory_space<hbm>>)
      %add3A_192 = arith.constant 4 : i32
      %add3A_193 = arith.addi %mul3A_130, %add3A_192 : i32
      %mul3A_194 = arith.constant 128 : i32
      %mul3A_195 = arith.muli %add3A_193, %mul3A_194 : i32
      %dma_start3A_196 = tpu.memref_slice %arg5[%mul3A_195] : memref<8192xi32, #tpu.memory_space<vmem>> -> memref<128xi32, #tpu.memory_space<vmem>>
      %dma_start3A_197 = arith.constant 0 : i32
      %dma_start3A_198 = arith.constant 0 : i32
      %dma_start3A_199 = tpu.memref_slice %arg2[%dma_start3A_197, %dma_start3A_198] : memref<100000x64xf32, #tpu.memory_space<hbm>> -> memref<100000x64xf32, #tpu.memory_space<hbm>>
      tpu.enqueue_indirect_dma source(%dma_start3A_199 : memref<100000x64xf32, #tpu.memory_space<hbm>>) target(%arg6 : memref<128x64xf32, #tpu.memory_space<vmem>>) offsets(%dma_start3A_196 : memref<128xi32, #tpu.memory_space<vmem>>) semaphore(%arg10 : memref<!tpu.dma_semaphore, #tpu.memory_space<semaphore_mem>>)
      %dma_wait3A_200 = arith.constant 0 : i32
      %dma_wait3A_201 = arith.constant 0 : i32
      %dma_wait3A_202 = tpu.memref_slice %arg4[%dma_wait3A_200, %dma_wait3A_201] : memref<262144x64xf32, #tpu.memory_space<hbm>> -> memref<128x64xf32, #tpu.memory_space<hbm>>
      %dma_wait3A_203 = arith.constant 0 : i32
      %dma_wait3A_204 = tpu.memref_slice %arg4[%dma_wait3A_200, %dma_wait3A_203] : memref<262144x64xf32, #tpu.memory_space<hbm>> -> memref<128x64xf32, #tpu.memory_space<hbm>>
      tpu.wait_dma2 semaphore(%arg15 : memref<!tpu.dma_semaphore, #tpu.memory_space<semaphore_mem>>) src(%arg7 : memref<128x64xf32, #tpu.memory_space<vmem>>) dst(%dma_wait3A_204 : memref<128x64xf32, #tpu.memory_space<hbm>>)
      %add3A_205 = arith.constant 5 : i32
      %add3A_206 = arith.addi %mul3A_130, %add3A_205 : i32
      %mul3A_207 = arith.constant 128 : i32
      %mul3A_208 = arith.muli %add3A_206, %mul3A_207 : i32
      %dma_start3A_209 = tpu.memref_slice %arg5[%mul3A_208] : memref<8192xi32, #tpu.memory_space<vmem>> -> memref<128xi32, #tpu.memory_space<vmem>>
      %dma_start3A_210 = arith.constant 0 : i32
      %dma_start3A_211 = arith.constant 0 : i32
      %dma_start3A_212 = tpu.memref_slice %arg2[%dma_start3A_210, %dma_start3A_211] : memref<100000x64xf32, #tpu.memory_space<hbm>> -> memref<100000x64xf32, #tpu.memory_space<hbm>>
      tpu.enqueue_indirect_dma source(%dma_start3A_212 : memref<100000x64xf32, #tpu.memory_space<hbm>>) target(%arg7 : memref<128x64xf32, #tpu.memory_space<vmem>>) offsets(%dma_start3A_209 : memref<128xi32, #tpu.memory_space<vmem>>) semaphore(%arg11 : memref<!tpu.dma_semaphore, #tpu.memory_space<semaphore_mem>>)
      %dma_wait3A_213 = arith.constant 0 : i32
      %dma_wait3A_214 = arith.constant 0 : i32
      %dma_wait3A_215 = tpu.memref_slice %arg4[%dma_wait3A_213, %dma_wait3A_214] : memref<262144x64xf32, #tpu.memory_space<hbm>> -> memref<128x64xf32, #tpu.memory_space<hbm>>
      %dma_wait3A_216 = arith.constant 0 : i32
      %dma_wait3A_217 = tpu.memref_slice %arg4[%dma_wait3A_213, %dma_wait3A_216] : memref<262144x64xf32, #tpu.memory_space<hbm>> -> memref<128x64xf32, #tpu.memory_space<hbm>>
      tpu.wait_dma2 semaphore(%arg16 : memref<!tpu.dma_semaphore, #tpu.memory_space<semaphore_mem>>) src(%arg8 : memref<128x64xf32, #tpu.memory_space<vmem>>) dst(%dma_wait3A_217 : memref<128x64xf32, #tpu.memory_space<hbm>>)
      %add3A_218 = arith.constant 6 : i32
      %add3A_219 = arith.addi %mul3A_130, %add3A_218 : i32
      %mul3A_220 = arith.constant 128 : i32
      %mul3A_221 = arith.muli %add3A_219, %mul3A_220 : i32
      %dma_start3A_222 = tpu.memref_slice %arg5[%mul3A_221] : memref<8192xi32, #tpu.memory_space<vmem>> -> memref<128xi32, #tpu.memory_space<vmem>>
      %dma_start3A_223 = arith.constant 0 : i32
      %dma_start3A_224 = arith.constant 0 : i32
      %dma_start3A_225 = tpu.memref_slice %arg2[%dma_start3A_223, %dma_start3A_224] : memref<100000x64xf32, #tpu.memory_space<hbm>> -> memref<100000x64xf32, #tpu.memory_space<hbm>>
      tpu.enqueue_indirect_dma source(%dma_start3A_225 : memref<100000x64xf32, #tpu.memory_space<hbm>>) target(%arg8 : memref<128x64xf32, #tpu.memory_space<vmem>>) offsets(%dma_start3A_222 : memref<128xi32, #tpu.memory_space<vmem>>) semaphore(%arg12 : memref<!tpu.dma_semaphore, #tpu.memory_space<semaphore_mem>>)
      %dma_wait3A_226 = arith.constant 0 : i32
      %dma_wait3A_227 = arith.constant 0 : i32
      %dma_wait3A_228 = tpu.memref_slice %arg4[%dma_wait3A_226, %dma_wait3A_227] : memref<262144x64xf32, #tpu.memory_space<hbm>> -> memref<128x64xf32, #tpu.memory_space<hbm>>
      %dma_wait3A_229 = arith.constant 0 : i32
      %dma_wait3A_230 = tpu.memref_slice %arg4[%dma_wait3A_226, %dma_wait3A_229] : memref<262144x64xf32, #tpu.memory_space<hbm>> -> memref<128x64xf32, #tpu.memory_space<hbm>>
      tpu.wait_dma2 semaphore(%arg17 : memref<!tpu.dma_semaphore, #tpu.memory_space<semaphore_mem>>) src(%arg9 : memref<128x64xf32, #tpu.memory_space<vmem>>) dst(%dma_wait3A_230 : memref<128x64xf32, #tpu.memory_space<hbm>>)
      %add3A_231 = arith.constant 7 : i32
      %add3A_232 = arith.addi %mul3A_130, %add3A_231 : i32
      %mul3A_233 = arith.constant 128 : i32
      %mul3A_234 = arith.muli %add3A_232, %mul3A_233 : i32
      %dma_start3A_235 = tpu.memref_slice %arg5[%mul3A_234] : memref<8192xi32, #tpu.memory_space<vmem>> -> memref<128xi32, #tpu.memory_space<vmem>>
      %dma_start3A_236 = arith.constant 0 : i32
      %dma_start3A_237 = arith.constant 0 : i32
      %dma_start3A_238 = tpu.memref_slice %arg2[%dma_start3A_236, %dma_start3A_237] : memref<100000x64xf32, #tpu.memory_space<hbm>> -> memref<100000x64xf32, #tpu.memory_space<hbm>>
      tpu.enqueue_indirect_dma source(%dma_start3A_238 : memref<100000x64xf32, #tpu.memory_space<hbm>>) target(%arg9 : memref<128x64xf32, #tpu.memory_space<vmem>>) offsets(%dma_start3A_235 : memref<128xi32, #tpu.memory_space<vmem>>) semaphore(%arg13 : memref<!tpu.dma_semaphore, #tpu.memory_space<semaphore_mem>>)
    }
    %while3A_46 = arith.constant 1 : i32
    scf.for %while3A_126 = %while3A_44 to %while3A_40 step %while3A_46  : i32 {
      %mul3A_127 = arith.muli %while3A_126, %while3A : i32
      %add3A_128 = arith.addi %while3A_37, %mul3A_127 : i32
      %mul3A_129 = arith.constant 4 : i32
      %mul3A_130 = arith.muli %add3A_128, %mul3A_129 : i32
      %dma_wait3A_131 = arith.constant 0 : i32
      %dma_wait3A_132 = arith.constant 0 : i32
      %dma_wait3A_133 = tpu.memref_slice %arg2[%dma_wait3A_131, %dma_wait3A_132] : memref<100000x64xf32, #tpu.memory_space<hbm>> -> memref<128x64xf32, #tpu.memory_space<hbm>>
      %dma_wait3A_134 = arith.constant 0 : i32
      %dma_wait3A_135 = tpu.memref_slice %arg2[%dma_wait3A_131, %dma_wait3A_134] : memref<100000x64xf32, #tpu.memory_space<hbm>> -> memref<128x64xf32, #tpu.memory_space<hbm>>
      tpu.wait_dma2 semaphore(%arg10 : memref<!tpu.dma_semaphore, #tpu.memory_space<semaphore_mem>>) src(%dma_wait3A_135 : memref<128x64xf32, #tpu.memory_space<hbm>>) dst(%arg6 : memref<128x64xf32, #tpu.memory_space<vmem>>)
      %add3A_136 = arith.constant 0 : i32
      %add3A_137 = arith.addi %mul3A_130, %add3A_136 : i32
      %mul3A_138 = arith.constant 128 : i32
      %mul3A_139 = arith.muli %add3A_137, %mul3A_138 : i32
      %add3A_140 = arith.addi %mul3A_2, %mul3A_139 : i32
      %dma_start3A_141 = arith.constant 0 : i32
      %dma_start3A_142 = tpu.memref_slice %arg4[%add3A_140, %dma_start3A_141] : memref<262144x64xf32, #tpu.memory_space<hbm>> -> memref<128x64xf32, #tpu.memory_space<hbm>>
      %dma_start3A_143 = arith.constant 0 : i32
      %dma_start3A_144 = tpu.memref_slice %arg4[%add3A_140, %dma_start3A_143] : memref<262144x64xf32, #tpu.memory_space<hbm>> -> memref<128x64xf32, #tpu.memory_space<hbm>>
      tpu.enqueue_dma source(%arg6 : memref<128x64xf32, #tpu.memory_space<vmem>>) target(%dma_start3A_144 : memref<128x64xf32, #tpu.memory_space<hbm>>) target_semaphore(%arg14 : memref<!tpu.dma_semaphore, #tpu.memory_space<semaphore_mem>>)
      %dma_wait3A_145 = arith.constant 0 : i32
      %dma_wait3A_146 = arith.constant 0 : i32
      %dma_wait3A_147 = tpu.memref_slice %arg2[%dma_wait3A_145, %dma_wait3A_146] : memref<100000x64xf32, #tpu.memory_space<hbm>> -> memref<128x64xf32, #tpu.memory_space<hbm>>
      %dma_wait3A_148 = arith.constant 0 : i32
      %dma_wait3A_149 = tpu.memref_slice %arg2[%dma_wait3A_145, %dma_wait3A_148] : memref<100000x64xf32, #tpu.memory_space<hbm>> -> memref<128x64xf32, #tpu.memory_space<hbm>>
      tpu.wait_dma2 semaphore(%arg11 : memref<!tpu.dma_semaphore, #tpu.memory_space<semaphore_mem>>) src(%dma_wait3A_149 : memref<128x64xf32, #tpu.memory_space<hbm>>) dst(%arg7 : memref<128x64xf32, #tpu.memory_space<vmem>>)
      %add3A_150 = arith.constant 1 : i32
      %add3A_151 = arith.addi %mul3A_130, %add3A_150 : i32
      %mul3A_152 = arith.constant 128 : i32
      %mul3A_153 = arith.muli %add3A_151, %mul3A_152 : i32
      %add3A_154 = arith.addi %mul3A_2, %mul3A_153 : i32
      %dma_start3A_155 = arith.constant 0 : i32
      %dma_start3A_156 = tpu.memref_slice %arg4[%add3A_154, %dma_start3A_155] : memref<262144x64xf32, #tpu.memory_space<hbm>> -> memref<128x64xf32, #tpu.memory_space<hbm>>
      %dma_start3A_157 = arith.constant 0 : i32
      %dma_start3A_158 = tpu.memref_slice %arg4[%add3A_154, %dma_start3A_157] : memref<262144x64xf32, #tpu.memory_space<hbm>> -> memref<128x64xf32, #tpu.memory_space<hbm>>
      tpu.enqueue_dma source(%arg7 : memref<128x64xf32, #tpu.memory_space<vmem>>) target(%dma_start3A_158 : memref<128x64xf32, #tpu.memory_space<hbm>>) target_semaphore(%arg15 : memref<!tpu.dma_semaphore, #tpu.memory_space<semaphore_mem>>)
      %dma_wait3A_159 = arith.constant 0 : i32
      %dma_wait3A_160 = arith.constant 0 : i32
      %dma_wait3A_161 = tpu.memref_slice %arg2[%dma_wait3A_159, %dma_wait3A_160] : memref<100000x64xf32, #tpu.memory_space<hbm>> -> memref<128x64xf32, #tpu.memory_space<hbm>>
      %dma_wait3A_162 = arith.constant 0 : i32
      %dma_wait3A_163 = tpu.memref_slice %arg2[%dma_wait3A_159, %dma_wait3A_162] : memref<100000x64xf32, #tpu.memory_space<hbm>> -> memref<128x64xf32, #tpu.memory_space<hbm>>
      tpu.wait_dma2 semaphore(%arg12 : memref<!tpu.dma_semaphore, #tpu.memory_space<semaphore_mem>>) src(%dma_wait3A_163 : memref<128x64xf32, #tpu.memory_space<hbm>>) dst(%arg8 : memref<128x64xf32, #tpu.memory_space<vmem>>)
      %add3A_164 = arith.constant 2 : i32
      %add3A_165 = arith.addi %mul3A_130, %add3A_164 : i32
      %mul3A_166 = arith.constant 128 : i32
      %mul3A_167 = arith.muli %add3A_165, %mul3A_166 : i32
      %add3A_168 = arith.addi %mul3A_2, %mul3A_167 : i32
      %dma_start3A_169 = arith.constant 0 : i32
      %dma_start3A_170 = tpu.memref_slice %arg4[%add3A_168, %dma_start3A_169] : memref<262144x64xf32, #tpu.memory_space<hbm>> -> memref<128x64xf32, #tpu.memory_space<hbm>>
      %dma_start3A_171 = arith.constant 0 : i32
      %dma_start3A_172 = tpu.memref_slice %arg4[%add3A_168, %dma_start3A_171] : memref<262144x64xf32, #tpu.memory_space<hbm>> -> memref<128x64xf32, #tpu.memory_space<hbm>>
      tpu.enqueue_dma source(%arg8 : memref<128x64xf32, #tpu.memory_space<vmem>>) target(%dma_start3A_172 : memref<128x64xf32, #tpu.memory_space<hbm>>) target_semaphore(%arg16 : memref<!tpu.dma_semaphore, #tpu.memory_space<semaphore_mem>>)
      %dma_wait3A_173 = arith.constant 0 : i32
      %dma_wait3A_174 = arith.constant 0 : i32
      %dma_wait3A_175 = tpu.memref_slice %arg2[%dma_wait3A_173, %dma_wait3A_174] : memref<100000x64xf32, #tpu.memory_space<hbm>> -> memref<128x64xf32, #tpu.memory_space<hbm>>
      %dma_wait3A_176 = arith.constant 0 : i32
      %dma_wait3A_177 = tpu.memref_slice %arg2[%dma_wait3A_173, %dma_wait3A_176] : memref<100000x64xf32, #tpu.memory_space<hbm>> -> memref<128x64xf32, #tpu.memory_space<hbm>>
      tpu.wait_dma2 semaphore(%arg13 : memref<!tpu.dma_semaphore, #tpu.memory_space<semaphore_mem>>) src(%dma_wait3A_177 : memref<128x64xf32, #tpu.memory_space<hbm>>) dst(%arg9 : memref<128x64xf32, #tpu.memory_space<vmem>>)
      %add3A_178 = arith.constant 3 : i32
      %add3A_179 = arith.addi %mul3A_130, %add3A_178 : i32
      %mul3A_180 = arith.constant 128 : i32
      %mul3A_181 = arith.muli %add3A_179, %mul3A_180 : i32
      %add3A_182 = arith.addi %mul3A_2, %mul3A_181 : i32
      %dma_start3A_183 = arith.constant 0 : i32
      %dma_start3A_184 = tpu.memref_slice %arg4[%add3A_182, %dma_start3A_183] : memref<262144x64xf32, #tpu.memory_space<hbm>> -> memref<128x64xf32, #tpu.memory_space<hbm>>
      %dma_start3A_185 = arith.constant 0 : i32
      %dma_start3A_186 = tpu.memref_slice %arg4[%add3A_182, %dma_start3A_185] : memref<262144x64xf32, #tpu.memory_space<hbm>> -> memref<128x64xf32, #tpu.memory_space<hbm>>
      tpu.enqueue_dma source(%arg9 : memref<128x64xf32, #tpu.memory_space<vmem>>) target(%dma_start3A_186 : memref<128x64xf32, #tpu.memory_space<hbm>>) target_semaphore(%arg17 : memref<!tpu.dma_semaphore, #tpu.memory_space<semaphore_mem>>)
      %dma_wait3A_187 = arith.constant 0 : i32
      %dma_wait3A_188 = arith.constant 0 : i32
      %dma_wait3A_189 = tpu.memref_slice %arg4[%dma_wait3A_187, %dma_wait3A_188] : memref<262144x64xf32, #tpu.memory_space<hbm>> -> memref<128x64xf32, #tpu.memory_space<hbm>>
      %dma_wait3A_190 = arith.constant 0 : i32
      %dma_wait3A_191 = tpu.memref_slice %arg4[%dma_wait3A_187, %dma_wait3A_190] : memref<262144x64xf32, #tpu.memory_space<hbm>> -> memref<128x64xf32, #tpu.memory_space<hbm>>
      tpu.wait_dma2 semaphore(%arg14 : memref<!tpu.dma_semaphore, #tpu.memory_space<semaphore_mem>>) src(%arg6 : memref<128x64xf32, #tpu.memory_space<vmem>>) dst(%dma_wait3A_191 : memref<128x64xf32, #tpu.memory_space<hbm>>)
      %add3A_192 = arith.constant 4 : i32
      %add3A_193 = arith.addi %mul3A_130, %add3A_192 : i32
      %mul3A_194 = arith.constant 128 : i32
      %mul3A_195 = arith.muli %add3A_193, %mul3A_194 : i32
      %dma_start3A_196 = tpu.memref_slice %arg5[%mul3A_195] : memref<8192xi32, #tpu.memory_space<vmem>> -> memref<128xi32, #tpu.memory_space<vmem>>
      %dma_start3A_197 = arith.constant 0 : i32
      %dma_start3A_198 = arith.constant 0 : i32
      %dma_start3A_199 = tpu.memref_slice %arg2[%dma_start3A_197, %dma_start3A_198] : memref<100000x64xf32, #tpu.memory_space<hbm>> -> memref<100000x64xf32, #tpu.memory_space<hbm>>
      tpu.enqueue_indirect_dma source(%dma_start3A_199 : memref<100000x64xf32, #tpu.memory_space<hbm>>) target(%arg6 : memref<128x64xf32, #tpu.memory_space<vmem>>) offsets(%dma_start3A_196 : memref<128xi32, #tpu.memory_space<vmem>>) semaphore(%arg10 : memref<!tpu.dma_semaphore, #tpu.memory_space<semaphore_mem>>)
      %dma_wait3A_200 = arith.constant 0 : i32
      %dma_wait3A_201 = arith.constant 0 : i32
      %dma_wait3A_202 = tpu.memref_slice %arg4[%dma_wait3A_200, %dma_wait3A_201] : memref<262144x64xf32, #tpu.memory_space<hbm>> -> memref<128x64xf32, #tpu.memory_space<hbm>>
      %dma_wait3A_203 = arith.constant 0 : i32
      %dma_wait3A_204 = tpu.memref_slice %arg4[%dma_wait3A_200, %dma_wait3A_203] : memref<262144x64xf32, #tpu.memory_space<hbm>> -> memref<128x64xf32, #tpu.memory_space<hbm>>
      tpu.wait_dma2 semaphore(%arg15 : memref<!tpu.dma_semaphore, #tpu.memory_space<semaphore_mem>>) src(%arg7 : memref<128x64xf32, #tpu.memory_space<vmem>>) dst(%dma_wait3A_204 : memref<128x64xf32, #tpu.memory_space<hbm>>)
      %add3A_205 = arith.constant 5 : i32
      %add3A_206 = arith.addi %mul3A_130, %add3A_205 : i32
      %mul3A_207 = arith.constant 128 : i32
      %mul3A_208 = arith.muli %add3A_206, %mul3A_207 : i32
      %dma_start3A_209 = tpu.memref_slice %arg5[%mul3A_208] : memref<8192xi32, #tpu.memory_space<vmem>> -> memref<128xi32, #tpu.memory_space<vmem>>
      %dma_start3A_210 = arith.constant 0 : i32
      %dma_start3A_211 = arith.constant 0 : i32
      %dma_start3A_212 = tpu.memref_slice %arg2[%dma_start3A_210, %dma_start3A_211] : memref<100000x64xf32, #tpu.memory_space<hbm>> -> memref<100000x64xf32, #tpu.memory_space<hbm>>
      tpu.enqueue_indirect_dma source(%dma_start3A_212 : memref<100000x64xf32, #tpu.memory_space<hbm>>) target(%arg7 : memref<128x64xf32, #tpu.memory_space<vmem>>) offsets(%dma_start3A_209 : memref<128xi32, #tpu.memory_space<vmem>>) semaphore(%arg11 : memref<!tpu.dma_semaphore, #tpu.memory_space<semaphore_mem>>)
      %dma_wait3A_213 = arith.constant 0 : i32
      %dma_wait3A_214 = arith.constant 0 : i32
      %dma_wait3A_215 = tpu.memref_slice %arg4[%dma_wait3A_213, %dma_wait3A_214] : memref<262144x64xf32, #tpu.memory_space<hbm>> -> memref<128x64xf32, #tpu.memory_space<hbm>>
      %dma_wait3A_216 = arith.constant 0 : i32
      %dma_wait3A_217 = tpu.memref_slice %arg4[%dma_wait3A_213, %dma_wait3A_216] : memref<262144x64xf32, #tpu.memory_space<hbm>> -> memref<128x64xf32, #tpu.memory_space<hbm>>
      tpu.wait_dma2 semaphore(%arg16 : memref<!tpu.dma_semaphore, #tpu.memory_space<semaphore_mem>>) src(%arg8 : memref<128x64xf32, #tpu.memory_space<vmem>>) dst(%dma_wait3A_217 : memref<128x64xf32, #tpu.memory_space<hbm>>)
      %add3A_218 = arith.constant 6 : i32
      %add3A_219 = arith.addi %mul3A_130, %add3A_218 : i32
      %mul3A_220 = arith.constant 128 : i32
      %mul3A_221 = arith.muli %add3A_219, %mul3A_220 : i32
      %dma_start3A_222 = tpu.memref_slice %arg5[%mul3A_221] : memref<8192xi32, #tpu.memory_space<vmem>> -> memref<128xi32, #tpu.memory_space<vmem>>
      %dma_start3A_223 = arith.constant 0 : i32
      %dma_start3A_224 = arith.constant 0 : i32
      %dma_start3A_225 = tpu.memref_slice %arg2[%dma_start3A_223, %dma_start3A_224] : memref<100000x64xf32, #tpu.memory_space<hbm>> -> memref<100000x64xf32, #tpu.memory_space<hbm>>
      tpu.enqueue_indirect_dma source(%dma_start3A_225 : memref<100000x64xf32, #tpu.memory_space<hbm>>) target(%arg8 : memref<128x64xf32, #tpu.memory_space<vmem>>) offsets(%dma_start3A_222 : memref<128xi32, #tpu.memory_space<vmem>>) semaphore(%arg12 : memref<!tpu.dma_semaphore, #tpu.memory_space<semaphore_mem>>)
      %dma_wait3A_226 = arith.constant 0 : i32
      %dma_wait3A_227 = arith.constant 0 : i32
      %dma_wait3A_228 = tpu.memref_slice %arg4[%dma_wait3A_226, %dma_wait3A_227] : memref<262144x64xf32, #tpu.memory_space<hbm>> -> memref<128x64xf32, #tpu.memory_space<hbm>>
      %dma_wait3A_229 = arith.constant 0 : i32
      %dma_wait3A_230 = tpu.memref_slice %arg4[%dma_wait3A_226, %dma_wait3A_229] : memref<262144x64xf32, #tpu.memory_space<hbm>> -> memref<128x64xf32, #tpu.memory_space<hbm>>
      tpu.wait_dma2 semaphore(%arg17 : memref<!tpu.dma_semaphore, #tpu.memory_space<semaphore_mem>>) src(%arg9 : memref<128x64xf32, #tpu.memory_space<vmem>>) dst(%dma_wait3A_230 : memref<128x64xf32, #tpu.memory_space<hbm>>)
      %add3A_231 = arith.constant 7 : i32
      %add3A_232 = arith.addi %mul3A_130, %add3A_231 : i32
      %mul3A_233 = arith.constant 128 : i32
      %mul3A_234 = arith.muli %add3A_232, %mul3A_233 : i32
      %dma_start3A_235 = tpu.memref_slice %arg5[%mul3A_234] : memref<8192xi32, #tpu.memory_space<vmem>> -> memref<128xi32, #tpu.memory_space<vmem>>
      %dma_start3A_236 = arith.constant 0 : i32
      %dma_start3A_237 = arith.constant 0 : i32
      %dma_start3A_238 = tpu.memref_slice %arg2[%dma_start3A_236, %dma_start3A_237] : memref<100000x64xf32, #tpu.memory_space<hbm>> -> memref<100000x64xf32, #tpu.memory_space<hbm>>
      tpu.enqueue_indirect_dma source(%dma_start3A_238 : memref<100000x64xf32, #tpu.memory_space<hbm>>) target(%arg9 : memref<128x64xf32, #tpu.memory_space<vmem>>) offsets(%dma_start3A_235 : memref<128xi32, #tpu.memory_space<vmem>>) semaphore(%arg13 : memref<!tpu.dma_semaphore, #tpu.memory_space<semaphore_mem>>)
    }
    %dma_wait3A = arith.constant 0 : i32
    %dma_wait3A_47 = arith.constant 0 : i32
    %dma_wait3A_48 = tpu.memref_slice %arg2[%dma_wait3A, %dma_wait3A_47] : memref<100000x64xf32, #tpu.memory_space<hbm>> -> memref<128x64xf32, #tpu.memory_space<hbm>>
    %dma_wait3A_49 = arith.constant 0 : i32
    %dma_wait3A_50 = tpu.memref_slice %arg2[%dma_wait3A, %dma_wait3A_49] : memref<100000x64xf32, #tpu.memory_space<hbm>> -> memref<128x64xf32, #tpu.memory_space<hbm>>
    tpu.wait_dma2 semaphore(%arg10 : memref<!tpu.dma_semaphore, #tpu.memory_space<semaphore_mem>>) src(%dma_wait3A_50 : memref<128x64xf32, #tpu.memory_space<hbm>>) dst(%arg6 : memref<128x64xf32, #tpu.memory_space<vmem>>)
    %add3A_51 = arith.constant 60 : i32
    %add3A_52 = arith.constant 0 : i32
    %add3A_53 = arith.addi %add3A_51, %add3A_52 : i32
    %mul3A_54 = arith.constant 128 : i32
    %mul3A_55 = arith.muli %add3A_53, %mul3A_54 : i32
    %add3A_56 = arith.addi %mul3A_2, %mul3A_55 : i32
    %dma_start3A_57 = arith.constant 0 : i32
    %dma_start3A_58 = tpu.memref_slice %arg4[%add3A_56, %dma_start3A_57] : memref<262144x64xf32, #tpu.memory_space<hbm>> -> memref<128x64xf32, #tpu.memory_space<hbm>>
    %dma_start3A_59 = arith.constant 0 : i32
    %dma_start3A_60 = tpu.memref_slice %arg4[%add3A_56, %dma_start3A_59] : memref<262144x64xf32, #tpu.memory_space<hbm>> -> memref<128x64xf32, #tpu.memory_space<hbm>>
    tpu.enqueue_dma source(%arg6 : memref<128x64xf32, #tpu.memory_space<vmem>>) target(%dma_start3A_60 : memref<128x64xf32, #tpu.memory_space<hbm>>) target_semaphore(%arg14 : memref<!tpu.dma_semaphore, #tpu.memory_space<semaphore_mem>>)
    %dma_wait3A_61 = arith.constant 0 : i32
    %dma_wait3A_62 = arith.constant 0 : i32
    %dma_wait3A_63 = tpu.memref_slice %arg2[%dma_wait3A_61, %dma_wait3A_62] : memref<100000x64xf32, #tpu.memory_space<hbm>> -> memref<128x64xf32, #tpu.memory_space<hbm>>
    %dma_wait3A_64 = arith.constant 0 : i32
    %dma_wait3A_65 = tpu.memref_slice %arg2[%dma_wait3A_61, %dma_wait3A_64] : memref<100000x64xf32, #tpu.memory_space<hbm>> -> memref<128x64xf32, #tpu.memory_space<hbm>>
    tpu.wait_dma2 semaphore(%arg11 : memref<!tpu.dma_semaphore, #tpu.memory_space<semaphore_mem>>) src(%dma_wait3A_65 : memref<128x64xf32, #tpu.memory_space<hbm>>) dst(%arg7 : memref<128x64xf32, #tpu.memory_space<vmem>>)
    %add3A_66 = arith.constant 60 : i32
    %add3A_67 = arith.constant 1 : i32
    %add3A_68 = arith.addi %add3A_66, %add3A_67 : i32
    %mul3A_69 = arith.constant 128 : i32
    %mul3A_70 = arith.muli %add3A_68, %mul3A_69 : i32
    %add3A_71 = arith.addi %mul3A_2, %mul3A_70 : i32
    %dma_start3A_72 = arith.constant 0 : i32
    %dma_start3A_73 = tpu.memref_slice %arg4[%add3A_71, %dma_start3A_72] : memref<262144x64xf32, #tpu.memory_space<hbm>> -> memref<128x64xf32, #tpu.memory_space<hbm>>
    %dma_start3A_74 = arith.constant 0 : i32
    %dma_start3A_75 = tpu.memref_slice %arg4[%add3A_71, %dma_start3A_74] : memref<262144x64xf32, #tpu.memory_space<hbm>> -> memref<128x64xf32, #tpu.memory_space<hbm>>
    tpu.enqueue_dma source(%arg7 : memref<128x64xf32, #tpu.memory_space<vmem>>) target(%dma_start3A_75 : memref<128x64xf32, #tpu.memory_space<hbm>>) target_semaphore(%arg15 : memref<!tpu.dma_semaphore, #tpu.memory_space<semaphore_mem>>)
    %dma_wait3A_76 = arith.constant 0 : i32
    %dma_wait3A_77 = arith.constant 0 : i32
    %dma_wait3A_78 = tpu.memref_slice %arg2[%dma_wait3A_76, %dma_wait3A_77] : memref<100000x64xf32, #tpu.memory_space<hbm>> -> memref<128x64xf32, #tpu.memory_space<hbm>>
    %dma_wait3A_79 = arith.constant 0 : i32
    %dma_wait3A_80 = tpu.memref_slice %arg2[%dma_wait3A_76, %dma_wait3A_79] : memref<100000x64xf32, #tpu.memory_space<hbm>> -> memref<128x64xf32, #tpu.memory_space<hbm>>
    tpu.wait_dma2 semaphore(%arg12 : memref<!tpu.dma_semaphore, #tpu.memory_space<semaphore_mem>>) src(%dma_wait3A_80 : memref<128x64xf32, #tpu.memory_space<hbm>>) dst(%arg8 : memref<128x64xf32, #tpu.memory_space<vmem>>)
    %add3A_81 = arith.constant 60 : i32
    %add3A_82 = arith.constant 2 : i32
    %add3A_83 = arith.addi %add3A_81, %add3A_82 : i32
    %mul3A_84 = arith.constant 128 : i32
    %mul3A_85 = arith.muli %add3A_83, %mul3A_84 : i32
    %add3A_86 = arith.addi %mul3A_2, %mul3A_85 : i32
    %dma_start3A_87 = arith.constant 0 : i32
    %dma_start3A_88 = tpu.memref_slice %arg4[%add3A_86, %dma_start3A_87] : memref<262144x64xf32, #tpu.memory_space<hbm>> -> memref<128x64xf32, #tpu.memory_space<hbm>>
    %dma_start3A_89 = arith.constant 0 : i32
    %dma_start3A_90 = tpu.memref_slice %arg4[%add3A_86, %dma_start3A_89] : memref<262144x64xf32, #tpu.memory_space<hbm>> -> memref<128x64xf32, #tpu.memory_space<hbm>>
    tpu.enqueue_dma source(%arg8 : memref<128x64xf32, #tpu.memory_space<vmem>>) target(%dma_start3A_90 : memref<128x64xf32, #tpu.memory_space<hbm>>) target_semaphore(%arg16 : memref<!tpu.dma_semaphore, #tpu.memory_space<semaphore_mem>>)
    %dma_wait3A_91 = arith.constant 0 : i32
    %dma_wait3A_92 = arith.constant 0 : i32
    %dma_wait3A_93 = tpu.memref_slice %arg2[%dma_wait3A_91, %dma_wait3A_92] : memref<100000x64xf32, #tpu.memory_space<hbm>> -> memref<128x64xf32, #tpu.memory_space<hbm>>
    %dma_wait3A_94 = arith.constant 0 : i32
    %dma_wait3A_95 = tpu.memref_slice %arg2[%dma_wait3A_91, %dma_wait3A_94] : memref<100000x64xf32, #tpu.memory_space<hbm>> -> memref<128x64xf32, #tpu.memory_space<hbm>>
    tpu.wait_dma2 semaphore(%arg13 : memref<!tpu.dma_semaphore, #tpu.memory_space<semaphore_mem>>) src(%dma_wait3A_95 : memref<128x64xf32, #tpu.memory_space<hbm>>) dst(%arg9 : memref<128x64xf32, #tpu.memory_space<vmem>>)
    %add3A_96 = arith.constant 60 : i32
    %add3A_97 = arith.constant 3 : i32
    %add3A_98 = arith.addi %add3A_96, %add3A_97 : i32
    %mul3A_99 = arith.constant 128 : i32
    %mul3A_100 = arith.muli %add3A_98, %mul3A_99 : i32
    %add3A_101 = arith.addi %mul3A_2, %mul3A_100 : i32
    %dma_start3A_102 = arith.constant 0 : i32
    %dma_start3A_103 = tpu.memref_slice %arg4[%add3A_101, %dma_start3A_102] : memref<262144x64xf32, #tpu.memory_space<hbm>> -> memref<128x64xf32, #tpu.memory_space<hbm>>
    %dma_start3A_104 = arith.constant 0 : i32
    %dma_start3A_105 = tpu.memref_slice %arg4[%add3A_101, %dma_start3A_104] : memref<262144x64xf32, #tpu.memory_space<hbm>> -> memref<128x64xf32, #tpu.memory_space<hbm>>
    tpu.enqueue_dma source(%arg9 : memref<128x64xf32, #tpu.memory_space<vmem>>) target(%dma_start3A_105 : memref<128x64xf32, #tpu.memory_space<hbm>>) target_semaphore(%arg17 : memref<!tpu.dma_semaphore, #tpu.memory_space<semaphore_mem>>)
    %dma_wait3A_106 = arith.constant 0 : i32
    %dma_wait3A_107 = arith.constant 0 : i32
    %dma_wait3A_108 = tpu.memref_slice %arg4[%dma_wait3A_106, %dma_wait3A_107] : memref<262144x64xf32, #tpu.memory_space<hbm>> -> memref<128x64xf32, #tpu.memory_space<hbm>>
    %dma_wait3A_109 = arith.constant 0 : i32
    %dma_wait3A_110 = tpu.memref_slice %arg4[%dma_wait3A_106, %dma_wait3A_109] : memref<262144x64xf32, #tpu.memory_space<hbm>> -> memref<128x64xf32, #tpu.memory_space<hbm>>
    tpu.wait_dma2 semaphore(%arg14 : memref<!tpu.dma_semaphore, #tpu.memory_space<semaphore_mem>>) src(%arg6 : memref<128x64xf32, #tpu.memory_space<vmem>>) dst(%dma_wait3A_110 : memref<128x64xf32, #tpu.memory_space<hbm>>)
    %dma_wait3A_111 = arith.constant 0 : i32
    %dma_wait3A_112 = arith.constant 0 : i32
    %dma_wait3A_113 = tpu.memref_slice %arg4[%dma_wait3A_111, %dma_wait3A_112] : memref<262144x64xf32, #tpu.memory_space<hbm>> -> memref<128x64xf32, #tpu.memory_space<hbm>>
    %dma_wait3A_114 = arith.constant 0 : i32
    %dma_wait3A_115 = tpu.memref_slice %arg4[%dma_wait3A_111, %dma_wait3A_114] : memref<262144x64xf32, #tpu.memory_space<hbm>> -> memref<128x64xf32, #tpu.memory_space<hbm>>
    tpu.wait_dma2 semaphore(%arg15 : memref<!tpu.dma_semaphore, #tpu.memory_space<semaphore_mem>>) src(%arg7 : memref<128x64xf32, #tpu.memory_space<vmem>>) dst(%dma_wait3A_115 : memref<128x64xf32, #tpu.memory_space<hbm>>)
    %dma_wait3A_116 = arith.constant 0 : i32
    %dma_wait3A_117 = arith.constant 0 : i32
    %dma_wait3A_118 = tpu.memref_slice %arg4[%dma_wait3A_116, %dma_wait3A_117] : memref<262144x64xf32, #tpu.memory_space<hbm>> -> memref<128x64xf32, #tpu.memory_space<hbm>>
    %dma_wait3A_119 = arith.constant 0 : i32
    %dma_wait3A_120 = tpu.memref_slice %arg4[%dma_wait3A_116, %dma_wait3A_119] : memref<262144x64xf32, #tpu.memory_space<hbm>> -> memref<128x64xf32, #tpu.memory_space<hbm>>
    tpu.wait_dma2 semaphore(%arg16 : memref<!tpu.dma_semaphore, #tpu.memory_space<semaphore_mem>>) src(%arg8 : memref<128x64xf32, #tpu.memory_space<vmem>>) dst(%dma_wait3A_120 : memref<128x64xf32, #tpu.memory_space<hbm>>)
    %dma_wait3A_121 = arith.constant 0 : i32
    %dma_wait3A_122 = arith.constant 0 : i32
    %dma_wait3A_123 = tpu.memref_slice %arg4[%dma_wait3A_121, %dma_wait3A_122] : memref<262144x64xf32, #tpu.memory_space<hbm>> -> memref<128x64xf32, #tpu.memory_space<hbm>>
    %dma_wait3A_124 = arith.constant 0 : i32
    %dma_wait3A_125 = tpu.memref_slice %arg4[%dma_wait3A_121, %dma_wait3A_124] : memref<262144x64xf32, #tpu.memory_space<hbm>> -> memref<128x64xf32, #tpu.memory_space<hbm>>
    tpu.wait_dma2 semaphore(%arg17 : memref<!tpu.dma_semaphore, #tpu.memory_space<semaphore_mem>>) src(%arg9 : memref<128x64xf32, #tpu.memory_space<vmem>>) dst(%dma_wait3A_125 : memref<128x64xf32, #tpu.memory_space<hbm>>)
    return
  }
}

module attributes {stable_mosaic.version = 14 : i64} {
  func.func @_mlp_body(%arg0: i32, %arg1: memref<2000x128xf32, #tpu.memory_space<vmem>>, %arg2: memref<128x128xf32, #tpu.memory_space<vmem>>, %arg3: memref<128x128xf32, #tpu.memory_space<vmem>>, %arg4: memref<128x64xf32, #tpu.memory_space<vmem>>, %arg5: memref<2000x64xf32, #tpu.memory_space<vmem>>) attributes {dimension_semantics = [#tpu.dimension_semantics<arbitrary>], iteration_bounds = array<i64: 50>, scalar_prefetch = 0 : i64, scratch_operands = 0 : i64, tpu.core_type = #tpu.core_type<tc>, window_params = [{transform_indices = @transform_0, window_bounds = array<i64: 2000, 128>}, {pipeline_mode = #tpu.pipeline_mode<synchronous>, transform_indices = @transform_1, window_bounds = array<i64: 128, 128>}, {pipeline_mode = #tpu.pipeline_mode<synchronous>, transform_indices = @transform_2, window_bounds = array<i64: 128, 128>}, {pipeline_mode = #tpu.pipeline_mode<synchronous>, transform_indices = @transform_3, window_bounds = array<i64: 128, 64>}, {transform_indices = @transform_4, window_bounds = array<i64: 2000, 64>}]} {
    %get3A = arith.constant 0 : index
    %get3A_0 = arith.constant 0 : index
    %get3A_1 = vector.load %arg1[%get3A, %get3A_0] : memref<2000x128xf32, #tpu.memory_space<vmem>>, vector<2000x128xf32>
    %get3A_2 = arith.constant 0 : index
    %get3A_3 = arith.constant 0 : index
    %get3A_4 = vector.load %arg2[%get3A_2, %get3A_3] : memref<128x128xf32, #tpu.memory_space<vmem>>, vector<128x128xf32>
    %dot_general3A = arith.constant dense<0.000000e+00> : vector<2000x128xf32>
    %dot_general3A_5 = tpu.matmul %get3A_1, %get3A_4, %dot_general3A {dimension_numbers = #tpu.dot_dimension_numbers<[1], [0], [0], [1], [0, 0, 1, 1], [], []>, transpose_lhs_hint = false} : vector<2000x128xf32>, vector<128x128xf32>, vector<2000x128xf32> -> vector<2000x128xf32>
    %max3A = arith.constant 0.000000e+00 : f32
    %max3A_6 = vector.broadcast %max3A : f32 to vector<2000x128xf32>
    %max3A_7 = arith.maximumf %dot_general3A_5, %max3A_6 : vector<2000x128xf32>
    %get3A_8 = arith.constant 0 : index
    %get3A_9 = arith.constant 0 : index
    %get3A_10 = vector.load %arg3[%get3A_8, %get3A_9] : memref<128x128xf32, #tpu.memory_space<vmem>>, vector<128x128xf32>
    %dot_general3A_11 = arith.constant dense<0.000000e+00> : vector<2000x128xf32>
    %dot_general3A_12 = tpu.matmul %max3A_7, %get3A_10, %dot_general3A_11 {dimension_numbers = #tpu.dot_dimension_numbers<[1], [0], [0], [1], [0, 0, 1, 1], [], []>, transpose_lhs_hint = false} : vector<2000x128xf32>, vector<128x128xf32>, vector<2000x128xf32> -> vector<2000x128xf32>
    %max3A_13 = arith.constant 0.000000e+00 : f32
    %max3A_14 = vector.broadcast %max3A_13 : f32 to vector<2000x128xf32>
    %max3A_15 = arith.maximumf %dot_general3A_12, %max3A_14 : vector<2000x128xf32>
    %get3A_16 = arith.constant 0 : index
    %get3A_17 = arith.constant 0 : index
    %get3A_18 = vector.load %arg4[%get3A_16, %get3A_17] : memref<128x64xf32, #tpu.memory_space<vmem>>, vector<128x64xf32>
    %dot_general3A_19 = arith.constant dense<0.000000e+00> : vector<2000x64xf32>
    %dot_general3A_20 = tpu.matmul %max3A_15, %get3A_18, %dot_general3A_19 {dimension_numbers = #tpu.dot_dimension_numbers<[1], [0], [0], [1], [0, 0, 1, 1], [], []>, transpose_lhs_hint = false} : vector<2000x128xf32>, vector<128x64xf32>, vector<2000x64xf32> -> vector<2000x64xf32>
    %swap3A = arith.constant 0 : index
    %swap3A_21 = arith.constant 0 : index
    %swap3A_22 = vector.load %arg5[%swap3A, %swap3A_21] : memref<2000x64xf32, #tpu.memory_space<vmem>>, vector<2000x64xf32>
    tpu.vector_store %arg5[%swap3A, %swap3A_21], %dot_general3A_20 {strides = array<i32>} : memref<2000x64xf32, #tpu.memory_space<vmem>>, vector<2000x64xf32>,
    return
  }
  func.func @transform_0(%arg0: i32) -> (i32, i32) {
    %c0_i32 = arith.constant 0 : i32
    %c0_i32_0 = arith.constant 0 : i32
    return %arg0, %c0_i32 : i32, i32
  }
  func.func @transform_1(%arg0: i32) -> (i32, i32) {
    %c0_i32 = arith.constant 0 : i32
    %c0_i32_0 = arith.constant 0 : i32
    %c0_i32_1 = arith.constant 0 : i32
    return %c0_i32, %c0_i32_0 : i32, i32
  }
  func.func @transform_2(%arg0: i32) -> (i32, i32) {
    %c0_i32 = arith.constant 0 : i32
    %c0_i32_0 = arith.constant 0 : i32
    %c0_i32_1 = arith.constant 0 : i32
    return %c0_i32, %c0_i32_0 : i32, i32
  }
  func.func @transform_3(%arg0: i32) -> (i32, i32) {
    %c0_i32 = arith.constant 0 : i32
    %c0_i32_0 = arith.constant 0 : i32
    %c0_i32_1 = arith.constant 0 : i32
    return %c0_i32, %c0_i32_0 : i32, i32
  }
  func.func @transform_4(%arg0: i32) -> (i32, i32) {
    %c0_i32 = arith.constant 0 : i32
    %c0_i32_0 = arith.constant 0 : i32
    return %arg0, %c0_i32 : i32, i32
  }
}

module attributes {stable_mosaic.version = 14 : i64} {
  func.func @_medoid_body(%arg0: i32, %arg1: memref<4096x64xf32, #tpu.memory_space<vmem>>, %arg2: memref<64x64xf32, #tpu.memory_space<vmem>>, %arg3: memref<4096x1xf32, #tpu.memory_space<vmem>>, %arg4: memref<4096x128xf32, #tpu.memory_space<vmem>>, %arg5: memref<64x4096xf32, #tpu.memory_space<vmem>>, %arg6: memref<64x64xf32, #tpu.memory_space<vmem>>) attributes {dimension_semantics = [#tpu.dimension_semantics<arbitrary>], iteration_bounds = array<i64: 64>, scalar_prefetch = 0 : i64, scratch_operands = 0 : i64, tpu.core_type = #tpu.core_type<tc>, window_params = [{transform_indices = @transform_0, window_bounds = array<i64: 4096, 64>}, {transform_indices = @transform_1, window_bounds = array<i64: 64, 64>}, {transform_indices = @transform_2, window_bounds = array<i64: 4096, 1>}, {pipeline_mode = #tpu.pipeline_mode<synchronous>, transform_indices = @transform_3, window_bounds = array<i64: 4096, 128>}, {pipeline_mode = #tpu.pipeline_mode<synchronous>, transform_indices = @transform_4, window_bounds = array<i64: 64, 4096>}, {transform_indices = @transform_5, window_bounds = array<i64: 64, 64>}]} {
    %get3A = arith.constant 0 : index
    %get3A_0 = arith.constant 0 : index
    %get3A_1 = vector.load %arg1[%get3A, %get3A_0] : memref<4096x64xf32, #tpu.memory_space<vmem>>, vector<4096x64xf32>
    %get3A_2 = arith.constant 0 : index
    %get3A_3 = arith.constant 0 : index
    %get3A_4 = vector.load %arg2[%get3A_2, %get3A_3] : memref<64x64xf32, #tpu.memory_space<vmem>>, vector<64x64xf32>
    %get3A_5 = arith.constant 0 : index
    %get3A_6 = arith.constant 0 : index
    %get3A_7 = vector.load %arg3[%get3A_5, %get3A_6] : memref<4096x1xf32, #tpu.memory_space<vmem>>, vector<4096x1xf32>
    %broadcast_in_dim3A = arith.constant 1.000000e+00 : f32
    %broadcast_in_dim3A_8 = vector.broadcast %broadcast_in_dim3A : f32 to vector<1x64xf32>
    %broadcast_in_dim3A_9 = arith.constant 1.000000e+00 : f32
    %broadcast_in_dim3A_10 = vector.broadcast %broadcast_in_dim3A_9 : f32 to vector<1x128xf32>
    %slice3A = vector.extract_strided_slice %get3A_1 {offsets = [0, 0], sizes = [128, 64], strides = [1, 1]} : vector<4096x64xf32> to vector<128x64xf32>
    %dot_general3A = arith.constant dense<0.000000e+00> : vector<128x128xf32>
    %dot_general3A_11 = tpu.matmul %slice3A, %slice3A, %dot_general3A {dimension_numbers = #tpu.dot_dimension_numbers<[1], [1], [0], [0], [0, 0, 1, 0], [], []>, transpose_lhs_hint = false} : vector<128x64xf32>, vector<128x64xf32>, vector<128x128xf32> -> vector<128x128xf32>
    %slice3A_12 = vector.extract_strided_slice %get3A_1 {offsets = [128, 0], sizes = [128, 64], strides = [1, 1]} : vector<4096x64xf32> to vector<128x64xf32>
    %dot_general3A_13 = arith.constant dense<0.000000e+00> : vector<128x128xf32>
    %dot_general3A_14 = tpu.matmul %slice3A_12, %slice3A_12, %dot_general3A_13 {dimension_numbers = #tpu.dot_dimension_numbers<[1], [1], [0], [0], [0, 0, 1, 0], [], []>, transpose_lhs_hint = false} : vector<128x64xf32>, vector<128x64xf32>, vector<128x128xf32> -> vector<128x128xf32>
    %slice3A_15 = vector.extract_strided_slice %get3A_1 {offsets = [256, 0], sizes = [128, 64], strides = [1, 1]} : vector<4096x64xf32> to vector<128x64xf32>
    %dot_general3A_16 = arith.constant dense<0.000000e+00> : vector<128x128xf32>
    %dot_general3A_17 = tpu.matmul %slice3A_15, %slice3A_15, %dot_general3A_16 {dimension_numbers = #tpu.dot_dimension_numbers<[1], [1], [0], [0], [0, 0, 1, 0], [], []>, transpose_lhs_hint = false} : vector<128x64xf32>, vector<128x64xf32>, vector<128x128xf32> -> vector<128x128xf32>
    %slice3A_18 = vector.extract_strided_slice %get3A_1 {offsets = [384, 0], sizes = [128, 64], strides = [1, 1]} : vector<4096x64xf32> to vector<128x64xf32>
    %dot_general3A_19 = arith.constant dense<0.000000e+00> : vector<128x128xf32>
    %dot_general3A_20 = tpu.matmul %slice3A_18, %slice3A_18, %dot_general3A_19 {dimension_numbers = #tpu.dot_dimension_numbers<[1], [1], [0], [0], [0, 0, 1, 0], [], []>, transpose_lhs_hint = false} : vector<128x64xf32>, vector<128x64xf32>, vector<128x128xf32> -> vector<128x128xf32>
    %slice3A_21 = vector.extract_strided_slice %get3A_1 {offsets = [512, 0], sizes = [128, 64], strides = [1, 1]} : vector<4096x64xf32> to vector<128x64xf32>
    %dot_general3A_22 = arith.constant dense<0.000000e+00> : vector<128x128xf32>
    %dot_general3A_23 = tpu.matmul %slice3A_21, %slice3A_21, %dot_general3A_22 {dimension_numbers = #tpu.dot_dimension_numbers<[1], [1], [0], [0], [0, 0, 1, 0], [], []>, transpose_lhs_hint = false} : vector<128x64xf32>, vector<128x64xf32>, vector<128x128xf32> -> vector<128x128xf32>
    %slice3A_24 = vector.extract_strided_slice %get3A_1 {offsets = [640, 0], sizes = [128, 64], strides = [1, 1]} : vector<4096x64xf32> to vector<128x64xf32>
    %dot_general3A_25 = arith.constant dense<0.000000e+00> : vector<128x128xf32>
    %dot_general3A_26 = tpu.matmul %slice3A_24, %slice3A_24, %dot_general3A_25 {dimension_numbers = #tpu.dot_dimension_numbers<[1], [1], [0], [0], [0, 0, 1, 0], [], []>, transpose_lhs_hint = false} : vector<128x64xf32>, vector<128x64xf32>, vector<128x128xf32> -> vector<128x128xf32>
    %slice3A_27 = vector.extract_strided_slice %get3A_1 {offsets = [768, 0], sizes = [128, 64], strides = [1, 1]} : vector<4096x64xf32> to vector<128x64xf32>
    %dot_general3A_28 = arith.constant dense<0.000000e+00> : vector<128x128xf32>
    %dot_general3A_29 = tpu.matmul %slice3A_27, %slice3A_27, %dot_general3A_28 {dimension_numbers = #tpu.dot_dimension_numbers<[1], [1], [0], [0], [0, 0, 1, 0], [], []>, transpose_lhs_hint = false} : vector<128x64xf32>, vector<128x64xf32>, vector<128x128xf32> -> vector<128x128xf32>
    %slice3A_30 = vector.extract_strided_slice %get3A_1 {offsets = [896, 0], sizes = [128, 64], strides = [1, 1]} : vector<4096x64xf32> to vector<128x64xf32>
    %dot_general3A_31 = arith.constant dense<0.000000e+00> : vector<128x128xf32>
    %dot_general3A_32 = tpu.matmul %slice3A_30, %slice3A_30, %dot_general3A_31 {dimension_numbers = #tpu.dot_dimension_numbers<[1], [1], [0], [0], [0, 0, 1, 0], [], []>, transpose_lhs_hint = false} : vector<128x64xf32>, vector<128x64xf32>, vector<128x128xf32> -> vector<128x128xf32>
    %slice3A_33 = vector.extract_strided_slice %get3A_1 {offsets = [1024, 0], sizes = [128, 64], strides = [1, 1]} : vector<4096x64xf32> to vector<128x64xf32>
    %dot_general3A_34 = arith.constant dense<0.000000e+00> : vector<128x128xf32>
    %dot_general3A_35 = tpu.matmul %slice3A_33, %slice3A_33, %dot_general3A_34 {dimension_numbers = #tpu.dot_dimension_numbers<[1], [1], [0], [0], [0, 0, 1, 0], [], []>, transpose_lhs_hint = false} : vector<128x64xf32>, vector<128x64xf32>, vector<128x128xf32> -> vector<128x128xf32>
    %slice3A_36 = vector.extract_strided_slice %get3A_1 {offsets = [1152, 0], sizes = [128, 64], strides = [1, 1]} : vector<4096x64xf32> to vector<128x64xf32>
    %dot_general3A_37 = arith.constant dense<0.000000e+00> : vector<128x128xf32>
    %dot_general3A_38 = tpu.matmul %slice3A_36, %slice3A_36, %dot_general3A_37 {dimension_numbers = #tpu.dot_dimension_numbers<[1], [1], [0], [0], [0, 0, 1, 0], [], []>, transpose_lhs_hint = false} : vector<128x64xf32>, vector<128x64xf32>, vector<128x128xf32> -> vector<128x128xf32>
    %slice3A_39 = vector.extract_strided_slice %get3A_1 {offsets = [1280, 0], sizes = [128, 64], strides = [1, 1]} : vector<4096x64xf32> to vector<128x64xf32>
    %dot_general3A_40 = arith.constant dense<0.000000e+00> : vector<128x128xf32>
    %dot_general3A_41 = tpu.matmul %slice3A_39, %slice3A_39, %dot_general3A_40 {dimension_numbers = #tpu.dot_dimension_numbers<[1], [1], [0], [0], [0, 0, 1, 0], [], []>, transpose_lhs_hint = false} : vector<128x64xf32>, vector<128x64xf32>, vector<128x128xf32> -> vector<128x128xf32>
    %slice3A_42 = vector.extract_strided_slice %get3A_1 {offsets = [1408, 0], sizes = [128, 64], strides = [1, 1]} : vector<4096x64xf32> to vector<128x64xf32>
    %dot_general3A_43 = arith.constant dense<0.000000e+00> : vector<128x128xf32>
    %dot_general3A_44 = tpu.matmul %slice3A_42, %slice3A_42, %dot_general3A_43 {dimension_numbers = #tpu.dot_dimension_numbers<[1], [1], [0], [0], [0, 0, 1, 0], [], []>, transpose_lhs_hint = false} : vector<128x64xf32>, vector<128x64xf32>, vector<128x128xf32> -> vector<128x128xf32>
    %slice3A_45 = vector.extract_strided_slice %get3A_1 {offsets = [1536, 0], sizes = [128, 64], strides = [1, 1]} : vector<4096x64xf32> to vector<128x64xf32>
    %dot_general3A_46 = arith.constant dense<0.000000e+00> : vector<128x128xf32>
    %dot_general3A_47 = tpu.matmul %slice3A_45, %slice3A_45, %dot_general3A_46 {dimension_numbers = #tpu.dot_dimension_numbers<[1], [1], [0], [0], [0, 0, 1, 0], [], []>, transpose_lhs_hint = false} : vector<128x64xf32>, vector<128x64xf32>, vector<128x128xf32> -> vector<128x128xf32>
    %slice3A_48 = vector.extract_strided_slice %get3A_1 {offsets = [1664, 0], sizes = [128, 64], strides = [1, 1]} : vector<4096x64xf32> to vector<128x64xf32>
    %dot_general3A_49 = arith.constant dense<0.000000e+00> : vector<128x128xf32>
    %dot_general3A_50 = tpu.matmul %slice3A_48, %slice3A_48, %dot_general3A_49 {dimension_numbers = #tpu.dot_dimension_numbers<[1], [1], [0], [0], [0, 0, 1, 0], [], []>, transpose_lhs_hint = false} : vector<128x64xf32>, vector<128x64xf32>, vector<128x128xf32> -> vector<128x128xf32>
    %slice3A_51 = vector.extract_strided_slice %get3A_1 {offsets = [1792, 0], sizes = [128, 64], strides = [1, 1]} : vector<4096x64xf32> to vector<128x64xf32>
    %dot_general3A_52 = arith.constant dense<0.000000e+00> : vector<128x128xf32>
    %dot_general3A_53 = tpu.matmul %slice3A_51, %slice3A_51, %dot_general3A_52 {dimension_numbers = #tpu.dot_dimension_numbers<[1], [1], [0], [0], [0, 0, 1, 0], [], []>, transpose_lhs_hint = false} : vector<128x64xf32>, vector<128x64xf32>, vector<128x128xf32> -> vector<128x128xf32>
    %slice3A_54 = vector.extract_strided_slice %get3A_1 {offsets = [1920, 0], sizes = [128, 64], strides = [1, 1]} : vector<4096x64xf32> to vector<128x64xf32>
    %dot_general3A_55 = arith.constant dense<0.000000e+00> : vector<128x128xf32>
    %dot_general3A_56 = tpu.matmul %slice3A_54, %slice3A_54, %dot_general3A_55 {dimension_numbers = #tpu.dot_dimension_numbers<[1], [1], [0], [0], [0, 0, 1, 0], [], []>, transpose_lhs_hint = false} : vector<128x64xf32>, vector<128x64xf32>, vector<128x128xf32> -> vector<128x128xf32>
    %slice3A_57 = vector.extract_strided_slice %get3A_1 {offsets = [2048, 0], sizes = [128, 64], strides = [1, 1]} : vector<4096x64xf32> to vector<128x64xf32>
    %dot_general3A_58 = arith.constant dense<0.000000e+00> : vector<128x128xf32>
    %dot_general3A_59 = tpu.matmul %slice3A_57, %slice3A_57, %dot_general3A_58 {dimension_numbers = #tpu.dot_dimension_numbers<[1], [1], [0], [0], [0, 0, 1, 0], [], []>, transpose_lhs_hint = false} : vector<128x64xf32>, vector<128x64xf32>, vector<128x128xf32> -> vector<128x128xf32>
    %slice3A_60 = vector.extract_strided_slice %get3A_1 {offsets = [2176, 0], sizes = [128, 64], strides = [1, 1]} : vector<4096x64xf32> to vector<128x64xf32>
    %dot_general3A_61 = arith.constant dense<0.000000e+00> : vector<128x128xf32>
    %dot_general3A_62 = tpu.matmul %slice3A_60, %slice3A_60, %dot_general3A_61 {dimension_numbers = #tpu.dot_dimension_numbers<[1], [1], [0], [0], [0, 0, 1, 0], [], []>, transpose_lhs_hint = false} : vector<128x64xf32>, vector<128x64xf32>, vector<128x128xf32> -> vector<128x128xf32>
    %slice3A_63 = vector.extract_strided_slice %get3A_1 {offsets = [2304, 0], sizes = [128, 64], strides = [1, 1]} : vector<4096x64xf32> to vector<128x64xf32>
    %dot_general3A_64 = arith.constant dense<0.000000e+00> : vector<128x128xf32>
    %dot_general3A_65 = tpu.matmul %slice3A_63, %slice3A_63, %dot_general3A_64 {dimension_numbers = #tpu.dot_dimension_numbers<[1], [1], [0], [0], [0, 0, 1, 0], [], []>, transpose_lhs_hint = false} : vector<128x64xf32>, vector<128x64xf32>, vector<128x128xf32> -> vector<128x128xf32>
    %slice3A_66 = vector.extract_strided_slice %get3A_1 {offsets = [2432, 0], sizes = [128, 64], strides = [1, 1]} : vector<4096x64xf32> to vector<128x64xf32>
    %dot_general3A_67 = arith.constant dense<0.000000e+00> : vector<128x128xf32>
    %dot_general3A_68 = tpu.matmul %slice3A_66, %slice3A_66, %dot_general3A_67 {dimension_numbers = #tpu.dot_dimension_numbers<[1], [1], [0], [0], [0, 0, 1, 0], [], []>, transpose_lhs_hint = false} : vector<128x64xf32>, vector<128x64xf32>, vector<128x128xf32> -> vector<128x128xf32>
    %slice3A_69 = vector.extract_strided_slice %get3A_1 {offsets = [2560, 0], sizes = [128, 64], strides = [1, 1]} : vector<4096x64xf32> to vector<128x64xf32>
    %dot_general3A_70 = arith.constant dense<0.000000e+00> : vector<128x128xf32>
    %dot_general3A_71 = tpu.matmul %slice3A_69, %slice3A_69, %dot_general3A_70 {dimension_numbers = #tpu.dot_dimension_numbers<[1], [1], [0], [0], [0, 0, 1, 0], [], []>, transpose_lhs_hint = false} : vector<128x64xf32>, vector<128x64xf32>, vector<128x128xf32> -> vector<128x128xf32>
    %slice3A_72 = vector.extract_strided_slice %get3A_1 {offsets = [2688, 0], sizes = [128, 64], strides = [1, 1]} : vector<4096x64xf32> to vector<128x64xf32>
    %dot_general3A_73 = arith.constant dense<0.000000e+00> : vector<128x128xf32>
    %dot_general3A_74 = tpu.matmul %slice3A_72, %slice3A_72, %dot_general3A_73 {dimension_numbers = #tpu.dot_dimension_numbers<[1], [1], [0], [0], [0, 0, 1, 0], [], []>, transpose_lhs_hint = false} : vector<128x64xf32>, vector<128x64xf32>, vector<128x128xf32> -> vector<128x128xf32>
    %slice3A_75 = vector.extract_strided_slice %get3A_1 {offsets = [2816, 0], sizes = [128, 64], strides = [1, 1]} : vector<4096x64xf32> to vector<128x64xf32>
    %dot_general3A_76 = arith.constant dense<0.000000e+00> : vector<128x128xf32>
    %dot_general3A_77 = tpu.matmul %slice3A_75, %slice3A_75, %dot_general3A_76 {dimension_numbers = #tpu.dot_dimension_numbers<[1], [1], [0], [0], [0, 0, 1, 0], [], []>, transpose_lhs_hint = false} : vector<128x64xf32>, vector<128x64xf32>, vector<128x128xf32> -> vector<128x128xf32>
    %slice3A_78 = vector.extract_strided_slice %get3A_1 {offsets = [2944, 0], sizes = [128, 64], strides = [1, 1]} : vector<4096x64xf32> to vector<128x64xf32>
    %dot_general3A_79 = arith.constant dense<0.000000e+00> : vector<128x128xf32>
    %dot_general3A_80 = tpu.matmul %slice3A_78, %slice3A_78, %dot_general3A_79 {dimension_numbers = #tpu.dot_dimension_numbers<[1], [1], [0], [0], [0, 0, 1, 0], [], []>, transpose_lhs_hint = false} : vector<128x64xf32>, vector<128x64xf32>, vector<128x128xf32> -> vector<128x128xf32>
    %slice3A_81 = vector.extract_strided_slice %get3A_1 {offsets = [3072, 0], sizes = [128, 64], strides = [1, 1]} : vector<4096x64xf32> to vector<128x64xf32>
    %dot_general3A_82 = arith.constant dense<0.000000e+00> : vector<128x128xf32>
    %dot_general3A_83 = tpu.matmul %slice3A_81, %slice3A_81, %dot_general3A_82 {dimension_numbers = #tpu.dot_dimension_numbers<[1], [1], [0], [0], [0, 0, 1, 0], [], []>, transpose_lhs_hint = false} : vector<128x64xf32>, vector<128x64xf32>, vector<128x128xf32> -> vector<128x128xf32>
    %slice3A_84 = vector.extract_strided_slice %get3A_1 {offsets = [3200, 0], sizes = [128, 64], strides = [1, 1]} : vector<4096x64xf32> to vector<128x64xf32>
    %dot_general3A_85 = arith.constant dense<0.000000e+00> : vector<128x128xf32>
    %dot_general3A_86 = tpu.matmul %slice3A_84, %slice3A_84, %dot_general3A_85 {dimension_numbers = #tpu.dot_dimension_numbers<[1], [1], [0], [0], [0, 0, 1, 0], [], []>, transpose_lhs_hint = false} : vector<128x64xf32>, vector<128x64xf32>, vector<128x128xf32> -> vector<128x128xf32>
    %slice3A_87 = vector.extract_strided_slice %get3A_1 {offsets = [3328, 0], sizes = [128, 64], strides = [1, 1]} : vector<4096x64xf32> to vector<128x64xf32>
    %dot_general3A_88 = arith.constant dense<0.000000e+00> : vector<128x128xf32>
    %dot_general3A_89 = tpu.matmul %slice3A_87, %slice3A_87, %dot_general3A_88 {dimension_numbers = #tpu.dot_dimension_numbers<[1], [1], [0], [0], [0, 0, 1, 0], [], []>, transpose_lhs_hint = false} : vector<128x64xf32>, vector<128x64xf32>, vector<128x128xf32> -> vector<128x128xf32>
    %slice3A_90 = vector.extract_strided_slice %get3A_1 {offsets = [3456, 0], sizes = [128, 64], strides = [1, 1]} : vector<4096x64xf32> to vector<128x64xf32>
    %dot_general3A_91 = arith.constant dense<0.000000e+00> : vector<128x128xf32>
    %dot_general3A_92 = tpu.matmul %slice3A_90, %slice3A_90, %dot_general3A_91 {dimension_numbers = #tpu.dot_dimension_numbers<[1], [1], [0], [0], [0, 0, 1, 0], [], []>, transpose_lhs_hint = false} : vector<128x64xf32>, vector<128x64xf32>, vector<128x128xf32> -> vector<128x128xf32>
    %slice3A_93 = vector.extract_strided_slice %get3A_1 {offsets = [3584, 0], sizes = [128, 64], strides = [1, 1]} : vector<4096x64xf32> to vector<128x64xf32>
    %dot_general3A_94 = arith.constant dense<0.000000e+00> : vector<128x128xf32>
    %dot_general3A_95 = tpu.matmul %slice3A_93, %slice3A_93, %dot_general3A_94 {dimension_numbers = #tpu.dot_dimension_numbers<[1], [1], [0], [0], [0, 0, 1, 0], [], []>, transpose_lhs_hint = false} : vector<128x64xf32>, vector<128x64xf32>, vector<128x128xf32> -> vector<128x128xf32>
    %slice3A_96 = vector.extract_strided_slice %get3A_1 {offsets = [3712, 0], sizes = [128, 64], strides = [1, 1]} : vector<4096x64xf32> to vector<128x64xf32>
    %dot_general3A_97 = arith.constant dense<0.000000e+00> : vector<128x128xf32>
    %dot_general3A_98 = tpu.matmul %slice3A_96, %slice3A_96, %dot_general3A_97 {dimension_numbers = #tpu.dot_dimension_numbers<[1], [1], [0], [0], [0, 0, 1, 0], [], []>, transpose_lhs_hint = false} : vector<128x64xf32>, vector<128x64xf32>, vector<128x128xf32> -> vector<128x128xf32>
    %slice3A_99 = vector.extract_strided_slice %get3A_1 {offsets = [3840, 0], sizes = [128, 64], strides = [1, 1]} : vector<4096x64xf32> to vector<128x64xf32>
    %dot_general3A_100 = arith.constant dense<0.000000e+00> : vector<128x128xf32>
    %dot_general3A_101 = tpu.matmul %slice3A_99, %slice3A_99, %dot_general3A_100 {dimension_numbers = #tpu.dot_dimension_numbers<[1], [1], [0], [0], [0, 0, 1, 0], [], []>, transpose_lhs_hint = false} : vector<128x64xf32>, vector<128x64xf32>, vector<128x128xf32> -> vector<128x128xf32>
    %slice3A_102 = vector.extract_strided_slice %get3A_1 {offsets = [3968, 0], sizes = [128, 64], strides = [1, 1]} : vector<4096x64xf32> to vector<128x64xf32>
    %dot_general3A_103 = arith.constant dense<0.000000e+00> : vector<128x128xf32>
    %dot_general3A_104 = tpu.matmul %slice3A_102, %slice3A_102, %dot_general3A_103 {dimension_numbers = #tpu.dot_dimension_numbers<[1], [1], [0], [0], [0, 0, 1, 0], [], []>, transpose_lhs_hint = false} : vector<128x64xf32>, vector<128x64xf32>, vector<128x128xf32> -> vector<128x128xf32>
    %concatenate3A = tpu.concatenate %dot_general3A_11, %dot_general3A_14, %dot_general3A_17, %dot_general3A_20, %dot_general3A_23, %dot_general3A_26, %dot_general3A_29, %dot_general3A_32, %dot_general3A_35, %dot_general3A_38, %dot_general3A_41, %dot_general3A_44, %dot_general3A_47, %dot_general3A_50, %dot_general3A_53, %dot_general3A_56, %dot_general3A_59, %dot_general3A_62, %dot_general3A_65, %dot_general3A_68, %dot_general3A_71, %dot_general3A_74, %dot_general3A_77, %dot_general3A_80, %dot_general3A_83, %dot_general3A_86, %dot_general3A_89, %dot_general3A_92, %dot_general3A_95, %dot_general3A_98, %dot_general3A_101, %dot_general3A_104 in 0 : vector<128x128xf32>, vector<128x128xf32>, vector<128x128xf32>, vector<128x128xf32>, vector<128x128xf32>, vector<128x128xf32>, vector<128x128xf32>, vector<128x128xf32>, vector<128x128xf32>, vector<128x128xf32>, vector<128x128xf32>, vector<128x128xf32>, vector<128x128xf32>, vector<128x128xf32>, vector<128x128xf32>, vector<128x128xf32>, vector<128x128xf32>, vector<128x128xf32>, vector<128x128xf32>, vector<128x128xf32>, vector<128x128xf32>, vector<128x128xf32>, vector<128x128xf32>, vector<128x128xf32>, vector<128x128xf32>, vector<128x128xf32>, vector<128x128xf32>, vector<128x128xf32>, vector<128x128xf32>, vector<128x128xf32>, vector<128x128xf32>, vector<128x128xf32> -> vector<4096x128xf32>
    %mul3A = arith.mulf %get3A_1, %get3A_1 : vector<4096x64xf32>
    %dot_general3A_105 = arith.constant dense<0.000000e+00> : vector<4096x1xf32>
    %dot_general3A_106 = tpu.matmul %mul3A, %broadcast_in_dim3A_8, %dot_general3A_105 {dimension_numbers = #tpu.dot_dimension_numbers<[1], [1], [0], [0], [0, 0, 1, 0], [], []>, transpose_lhs_hint = false} : vector<4096x64xf32>, vector<1x64xf32>, vector<4096x1xf32> -> vector<4096x1xf32>
    %reshape3A = vector.shape_cast %dot_general3A_106 : vector<4096x1xf32> to vector<64x64xf32>
    %concatenate3A_107 = tpu.concatenate %reshape3A, %reshape3A in 1 : vector<64x64xf32>, vector<64x64xf32> -> vector<64x128xf32>
    %broadcast_in_dim3A_108 = vector.shape_cast %concatenate3A_107 : vector<64x128xf32> to vector<64x1x128xf32>
    %broadcast_in_dim3A_109 = vector.shape_cast %broadcast_in_dim3A_108 : vector<64x1x128xf32> to vector<64x1x128xf32>
    %broadcast_in_dim3A_110 = vector.broadcast %broadcast_in_dim3A_109 : vector<64x1x128xf32> to vector<64x64x128xf32>
    %reshape3A_111 = vector.shape_cast %broadcast_in_dim3A_110 : vector<64x64x128xf32> to vector<4096x128xf32>
    %broadcast_in_dim3A_112 = arith.constant 0.000000e+00 : f32
    %broadcast_in_dim3A_113 = vector.broadcast %broadcast_in_dim3A_112 : f32 to vector<64x64xf32>
    %concatenate3A_114 = tpu.concatenate %get3A_4, %broadcast_in_dim3A_113 in 1 : vector<64x64xf32>, vector<64x64xf32> -> vector<64x128xf32>
    %concatenate3A_115 = tpu.concatenate %broadcast_in_dim3A_113, %get3A_4 in 1 : vector<64x64xf32>, vector<64x64xf32> -> vector<64x128xf32>
    %iota3A = tpu.iota {dimensions = array<i32: 0>} : vector<64x1xi32>
    %jit3A = arith.constant 2 : i64
    %convert_element_type3A = arith.trunci %jit3A : i64 to i32
    %eq3A = arith.constant 0 : i32
    %eq3A_116 = arith.cmpi eq, %convert_element_type3A, %eq3A : i32
    %jit3A_117 = arith.constant 1 : i32
    %select_n3A = arith.select %eq3A_116, %jit3A_117, %convert_element_type3A : i32
    %rem3A = vector.broadcast %select_n3A : i32 to vector<64x1xi32>
    %rem3A_118 = arith.remsi %iota3A, %rem3A : vector<64x1xi32>
    %ne3A = arith.constant 0 : i32
    %ne3A_119 = vector.broadcast %ne3A : i32 to vector<64x1xi32>
    %ne3A_120 = arith.cmpi ne, %rem3A_118, %ne3A_119 : vector<64x1xi32>
    %lt3A = arith.constant 0 : i32
    %lt3A_121 = vector.broadcast %lt3A : i32 to vector<64x1xi32>
    %lt3A_122 = arith.cmpi slt, %rem3A_118, %lt3A_121 : vector<64x1xi32>
    %lt3A_123 = arith.constant 0 : i32
    %lt3A_124 = arith.cmpi slt, %select_n3A, %lt3A_123 : i32
    %ne3A_125 = vector.broadcast %lt3A_124 : i1 to vector<64x1xi1>
    %ne3A_126 = vector.broadcast %ne3A_125 : vector<64x1xi1> to vector<64x1xi1>
    %ne3A_127 = arith.xori %lt3A_122, %ne3A_126 : vector<64x1xi1>
    %and3A = arith.andi %ne3A_127, %ne3A_120 : vector<64x1xi1>
    %add3A = vector.broadcast %select_n3A : i32 to vector<64x1xi32>
    %add3A_128 = arith.addi %rem3A_118, %add3A : vector<64x1xi32>
    %select_n3A_129 = arith.select %and3A, %add3A_128, %rem3A_118 : vector<64x1xi1>, vector<64x1xi32>
    %eq3A_130 = arith.constant 1 : i32
    %eq3A_131 = vector.broadcast %eq3A_130 : i32 to vector<64x1xi32>
    %eq3A_132 = arith.cmpi eq, %select_n3A_129, %eq3A_131 : vector<64x1xi32>
    %broadcast_in_dim3A_133 = vector.shape_cast %eq3A_132 : vector<64x1xi1> to vector<64x1xi1>
    %broadcast_in_dim3A_134 = vector.broadcast %broadcast_in_dim3A_133 : vector<64x1xi1> to vector<64x128xi1>
    %select_n3A_135 = arith.select %broadcast_in_dim3A_134, %concatenate3A_115, %concatenate3A_114 : vector<64x128xi1>, vector<64x128xf32>
    %broadcast_in_dim3A_136 = vector.shape_cast %select_n3A_135 : vector<64x128xf32> to vector<64x1x128xf32>
    %broadcast_in_dim3A_137 = vector.shape_cast %broadcast_in_dim3A_136 : vector<64x1x128xf32> to vector<64x1x128xf32>
    %broadcast_in_dim3A_138 = vector.broadcast %broadcast_in_dim3A_137 : vector<64x1x128xf32> to vector<64x64x128xf32>
    %reshape3A_139 = vector.shape_cast %broadcast_in_dim3A_138 : vector<64x64x128xf32> to vector<4096x128xf32>
    %add3A_140 = vector.broadcast %dot_general3A_106 : vector<4096x1xf32> to vector<4096x128xf32>
    %add3A_141 = arith.addf %add3A_140, %reshape3A_111 : vector<4096x128xf32>
    %mul3A_142 = arith.constant 2.000000e+00 : f32
    %mul3A_143 = vector.broadcast %mul3A_142 : f32 to vector<4096x128xf32>
    %mul3A_144 = arith.mulf %mul3A_143, %concatenate3A : vector<4096x128xf32>
    %sub3A = arith.subf %add3A_141, %mul3A_144 : vector<4096x128xf32>
    %max3A = arith.constant 0.000000e+00 : f32
    %max3A_145 = vector.broadcast %max3A : f32 to vector<4096x128xf32>
    %max3A_146 = arith.maximumf %sub3A, %max3A_145 : vector<4096x128xf32>
    %add3A_147 = arith.constant 9.99999996E-13 : f32
    %add3A_148 = vector.broadcast %add3A_147 : f32 to vector<4096x128xf32>
    %add3A_149 = arith.addf %max3A_146, %add3A_148 : vector<4096x128xf32>
    %sqrt3A = math.sqrt %add3A_149 : vector<4096x128xf32>
    %mul3A_150 = arith.mulf %reshape3A_139, %sqrt3A : vector<4096x128xf32>
    %dot_general3A_151 = arith.constant dense<0.000000e+00> : vector<4096x1xf32>
    %dot_general3A_152 = tpu.matmul %mul3A_150, %broadcast_in_dim3A_10, %dot_general3A_151 {dimension_numbers = #tpu.dot_dimension_numbers<[1], [1], [0], [0], [0, 0, 1, 0], [], []>, transpose_lhs_hint = false} : vector<4096x128xf32>, vector<1x128xf32>, vector<4096x1xf32> -> vector<4096x1xf32>
    %get3A_153 = arith.constant 0 : index
    %get3A_154 = arith.constant 0 : index
    %get3A_155 = vector.load %arg4[%get3A_153, %get3A_154] : memref<4096x128xf32, #tpu.memory_space<vmem>>, vector<4096x128xf32>
    %gt3A = vector.broadcast %get3A_7 : vector<4096x1xf32> to vector<4096x128xf32>
    %gt3A_156 = arith.cmpf ogt, %reshape3A_139, %gt3A : vector<4096x128xf32>
    %eq3A_157 = vector.broadcast %get3A_7 : vector<4096x1xf32> to vector<4096x128xf32>
    %eq3A_158 = arith.cmpf oeq, %reshape3A_139, %eq3A_157 : vector<4096x128xf32>
    %jit3A_159 = arith.constant 0.000000e+00 : f32
    %broadcast_in_dim3A_160 = vector.broadcast %jit3A_159 : f32 to vector<4096x128xf32>
    %select_n3A_161 = arith.select %eq3A_158, %get3A_155, %broadcast_in_dim3A_160 : vector<4096x128xi1>, vector<4096x128xf32>
    %jit3A_162 = arith.constant 1.000000e+00 : f32
    %broadcast_in_dim3A_163 = vector.broadcast %jit3A_162 : f32 to vector<4096x128xf32>
    %select_n3A_164 = arith.select %gt3A_156, %broadcast_in_dim3A_163, %select_n3A_161 : vector<4096x128xi1>, vector<4096x128xf32>
    %dot_general3A_165 = arith.constant dense<0.000000e+00> : vector<4096x1xf32>
    %dot_general3A_166 = tpu.matmul %select_n3A_164, %broadcast_in_dim3A_10, %dot_general3A_165 {dimension_numbers = #tpu.dot_dimension_numbers<[1], [1], [0], [0], [0, 0, 1, 0], [], []>, transpose_lhs_hint = false} : vector<4096x128xf32>, vector<1x128xf32>, vector<4096x1xf32> -> vector<4096x1xf32>
    %lt3A_167 = arith.constant 3.200000e+01 : f32
    %lt3A_168 = vector.broadcast %lt3A_167 : f32 to vector<4096x1xf32>
    %lt3A_169 = arith.cmpf olt, %dot_general3A_166, %lt3A_168 : vector<4096x1xf32>
    %gt3A_170 = arith.constant 0.000000e+00 : f32
    %gt3A_171 = vector.broadcast %gt3A_170 : f32 to vector<4096x1xf32>
    %gt3A_172 = arith.cmpf ogt, %get3A_7, %gt3A_171 : vector<4096x1xf32>
    %and3A_173 = arith.andi %lt3A_169, %gt3A_172 : vector<4096x1xi1>
    %reduce_sum3A = arith.constant dense<0.000000e+00> : vector<64xf32>
    %reduce_sum3A_174 = vector.multi_reduction <add>, %get3A_4, %reduce_sum3A [1] : vector<64x64xf32> to vector<64xf32>
    %broadcast_in_dim3A_175 = vector.shape_cast %reduce_sum3A_174 : vector<64xf32> to vector<64x1xf32>
    %div3A = arith.constant 1.000000e+00 : f32
    %div3A_176 = vector.broadcast %div3A : f32 to vector<64x1xf32>
    %div3A_177 = arith.divf %div3A_176, %broadcast_in_dim3A_175 : vector<64x1xf32>
    %broadcast_in_dim3A_178 = vector.shape_cast %div3A_177 : vector<64x1xf32> to vector<64x1x1xf32>
    %broadcast_in_dim3A_179 = vector.shape_cast %broadcast_in_dim3A_178 : vector<64x1x1xf32> to vector<64x1x1xf32>
    %broadcast_in_dim3A_180 = vector.broadcast %broadcast_in_dim3A_179 : vector<64x1x1xf32> to vector<64x64x1xf32>
    %reshape3A_181 = vector.shape_cast %broadcast_in_dim3A_180 : vector<64x64x1xf32> to vector<4096x1xf32>
    %neg3A = arith.constant 0.000000e+00 : f32
    %neg3A_182 = vector.broadcast %neg3A : f32 to vector<4096x1xf32>
    %neg3A_183 = arith.subf %neg3A_182, %dot_general3A_152 : vector<4096x1xf32>
    %mul3A_184 = arith.mulf %neg3A_183, %reshape3A_181 : vector<4096x1xf32>
    %max3A_185 = arith.constant -7.000000e+01 : f32
    %max3A_186 = vector.broadcast %max3A_185 : f32 to vector<4096x1xf32>
    %max3A_187 = arith.maximumf %mul3A_184, %max3A_186 : vector<4096x1xf32>
    %exp3A = math.exp %max3A_187 : vector<4096x1xf32>
    %jit3A_188 = arith.constant 0.000000e+00 : f32
    %broadcast_in_dim3A_189 = vector.broadcast %jit3A_188 : f32 to vector<4096x1xf32>
    %select_n3A_190 = arith.select %and3A_173, %exp3A, %broadcast_in_dim3A_189 : vector<4096x1xi1>, vector<4096x1xf32>
    %mul3A_191 = arith.mulf %select_n3A_190, %get3A_7 : vector<4096x1xf32>
    %get3A_192 = arith.constant 0 : index
    %get3A_193 = arith.constant 0 : index
    %get3A_194 = vector.load %arg5[%get3A_192, %get3A_193] : memref<64x4096xf32, #tpu.memory_space<vmem>>, vector<64x4096xf32>
    %mul3A_195 = vector.broadcast %mul3A_191 : vector<4096x1xf32> to vector<4096x64xf32>
    %mul3A_196 = arith.mulf %mul3A_195, %get3A_1 : vector<4096x64xf32>
    %dot_general3A_197 = arith.constant dense<0.000000e+00> : vector<64x64xf32>
    %dot_general3A_198 = tpu.matmul %get3A_194, %mul3A_196, %dot_general3A_197 {dimension_numbers = #tpu.dot_dimension_numbers<[1], [0], [0], [1], [0, 0, 1, 1], [], []>, transpose_lhs_hint = false} : vector<64x4096xf32>, vector<4096x64xf32>, vector<64x64xf32> -> vector<64x64xf32>
    %dot_general3A_199 = arith.constant dense<0.000000e+00> : vector<64x1xf32>
    %dot_general3A_200 = tpu.matmul %get3A_194, %mul3A_191, %dot_general3A_199 {dimension_numbers = #tpu.dot_dimension_numbers<[1], [0], [0], [1], [0, 0, 1, 1], [], []>, transpose_lhs_hint = false} : vector<64x4096xf32>, vector<4096x1xf32>, vector<64x1xf32> -> vector<64x1xf32>
    %div3A_201 = arith.divf %broadcast_in_dim3A_175, %dot_general3A_200 : vector<64x1xf32>
    %mul3A_202 = vector.broadcast %div3A_201 : vector<64x1xf32> to vector<64x64xf32>
    %mul3A_203 = arith.mulf %dot_general3A_198, %mul3A_202 : vector<64x64xf32>
    %swap3A = arith.constant 0 : index
    %swap3A_204 = arith.constant 0 : index
    %swap3A_205 = vector.load %arg6[%swap3A, %swap3A_204] : memref<64x64xf32, #tpu.memory_space<vmem>>, vector<64x64xf32>
    tpu.vector_store %arg6[%swap3A, %swap3A_204], %mul3A_203 {strides = array<i32>} : memref<64x64xf32, #tpu.memory_space<vmem>>, vector<64x64xf32>,
    return
  }
  func.func @transform_0(%arg0: i32) -> (i32, i32) {
    %c0_i32 = arith.constant 0 : i32
    %c0_i32_0 = arith.constant 0 : i32
    return %arg0, %c0_i32 : i32, i32
  }
  func.func @transform_1(%arg0: i32) -> (i32, i32) {
    %c0_i32 = arith.constant 0 : i32
    %c0_i32_0 = arith.constant 0 : i32
    return %arg0, %c0_i32 : i32, i32
  }
  func.func @transform_2(%arg0: i32) -> (i32, i32) {
    %c0_i32 = arith.constant 0 : i32
    %c0_i32_0 = arith.constant 0 : i32
    return %arg0, %c0_i32 : i32, i32
  }
  func.func @transform_3(%arg0: i32) -> (i32, i32) {
    %c0_i32 = arith.constant 0 : i32
    %c0_i32_0 = arith.constant 0 : i32
    %c0_i32_1 = arith.constant 0 : i32
    return %c0_i32, %c0_i32_0 : i32, i32
  }
  func.func @transform_4(%arg0: i32) -> (i32, i32) {
    %c0_i32 = arith.constant 0 : i32
    %c0_i32_0 = arith.constant 0 : i32
    %c0_i32_1 = arith.constant 0 : i32
    return %c0_i32, %c0_i32_0 : i32, i32
  }
  func.func @transform_5(%arg0: i32) -> (i32, i32) {
    %c0_i32 = arith.constant 0 : i32
    %c0_i32_0 = arith.constant 0 : i32
    return %arg0, %c0_i32 : i32, i32
  }
}

</mosaic_0001>

<sc_bundles>
// kernel: kernel.5.cloned.1.call-start
scs
__scs_entry_jumppad:
0x0: {  	(pc) =	sbr.rel $0x88, $3  }
0x1: {  	(tag) =	ssettag $0x0;
	lr =	simm.s32 $0x1  }
0x2: {  	[smem:$0x3F9B] =	sst lr;
	_ =	strace $0xD0000000  }
0x3: {  	_ = 	snop  }
0x4: {  	_ = 	snop  }
0x5: {  	_ = 	snop  }
0x6: {  	_ = 	snop  }
0x7: {  	_ = 	snop  }
__scs_overlays_trampoline_lowered:
0x8: {  	[smem:$0x3FAA] =	sst s0  }
0x9: {  	[smem:$0x3FAB] =	sst s1  }
0xa: {  	[smem:$0x3FAC] =	sst s2  }
0xb: {  	[smem:$0x3FAD] =	sst s3  }
0xc: {  	[smem:$0x3FAE] =	sst s4  }
0xd: {  	[smem:$0x3FAF] =	sst s5  }
0xe: {  	[smem:$0x3FB0] =	sst s6  }
0xf: {  	[smem:$0x3FB1] =	sst s7  }
0x10: {  	[smem:$0x3FB2] =	sst s8  }
0x11: {  	[smem:$0x3FB3] =	sst s9;
	s0 =	simm.s32 @!p0 $0x0  }
0x12: {  	s1 =	sld [smem:$0x3F99];
	s0 =	simm.s32 @p0 $0x1  }
0x13: {  	[smem:$0x3FB4] =	sst s0;
	s0 =	simm.s32 @!p1 $0x0  }
0x14: {  	s2 =	sld [smem:$0x3F98];
	s0 =	simm.s32 @p1 $0x1  }
0x15: {  	[smem:$0x3FB5] =	sst s0;
	s0 =	simm.s32 @!p2 $0x0  }
0x16: {  	s3 =	sld [smem:$0x3FDB];
	s0 =	simm.s32 @p2 $0x1  }
0x17: {  	s4 =	simm.s32 $0x1BF5;
	[smem:$0x3FB7] =	sst s0  }
0x18: {  	s0 =	sld [smem:$0x3F9A];
	_ =	swait.ge [sflag:s4], $0x0  }
0x19: {  	s7 =	sld [smem:$0x3F9B]  }
0x1a: {  	s8 =	sadd.s32 $0xFFFFE003, lr  }
0x1b: {  	s9 =	sadd.s32 $0xFFFFFEF7, lr;
	s5 =	simm.s32 $0xFFFFFFFF;
	p2 =	slt.u32 s8, $0xFFFFF086  }
0x1c: {  	p1 =	slt.u32 s9, $0xF7A;
	s5 =	simm.s32 @!p2 $0x0  }
0x1d: {  	s5 =	simm.s32 @p1 $0x1;
	p0 =	seq.s32 s7, s2  }
0x1e: {  	s7 =	smul.u32 @!p0 $0xF7A, s2;
	p2 =	seq.s32 @!p0 s5, $0x0  }
0x1f: {  	s9 =	smul.u32 $0xF7A, s1;
	s8 =	simm.s32 @!p0 $0x1BF5;
	p2 =	por !p2, p0  }
0x20: {  	[sflag:s8] =	ssyncset.s32 @!p0 $0xFFFFF086;
	s6 =	sadd.s32 @!p0 s3, s7;
	s7 =	simm.s32 @!p0 $0x108  }
0x21: {  	s3 =	sadd.s32 s3, s9;
	s6 =	sadd.s32 @!p0 $0x88, s6;
	s7 =	simm.s32 @p2 $0x1082  }
0x22: {  	[simem:s7], [sflag:s8] =	dma.local @!p0 [hbm:s6], $0xF7A  }
0x23: {  	s9 =	sor.u32 $0xD0000000, s2;
	s6 =	simm.s32 $0x108;
	_ =	swait.ge @!p0 [sflag:s8], $0x0  }
0x24: {  	s3 =	sadd.s32 $0x88, s3;
	s6 =	simm.s32 @!p1 $0x1082;
	[sflag:s4] =	ssyncset.s32 $0xFFFFF086  }
0x25: {  	[simem:s6], [sflag:s4] =	dma.local [hbm:s3], $0xF7A  }
0x26: {  	[smem:$0x3F9B] =	sst s1;
	(tag) =	ssettag s2;
	_ =	strace s9  }
0x27: {  	s1 =	sld [smem:$0x3FAB]  }
0x28: {  	s2 =	sld [smem:$0x3FAC]  }
0x29: {  	s4 =	sld [smem:$0x3FAE]  }
0x2a: {  	p0 =	seq.s32 s5, $0x0;
	s5 =	sld [smem:$0x3FAF]  }
0x2b: {  	s6 =	sld [smem:$0x3FB0]  }
0x2c: {  	s7 =	sld [smem:$0x3FB1]  }
0x2d: {  	s3 =	simm.s32 $0x108;
	s8 =	sld [smem:$0x3FB2]  }
0x2e: {  	s3 =	simm.s32 @!p0 $0x1082;
	s9 =	sld [smem:$0x3FB3]  }
0x2f: {  	lr =	sadd.s32 s0, s3;
	s0 =	sld [smem:$0x3FAA]  }
0x30: {  	s3 =	sld [smem:$0x3FAD]  }
0x31: {  	[smem:$0x3FB6] =	sst s10  }
0x32: {  	s10 =	sld [smem:$0x3FB4];
	_ =	sdelay $0x3  }
0x33: {  	p0 =	seq.s32 s10, $0x1;
	s10 =	sld [smem:$0x3FB6];
	_ =	sdelay $0x3  }
0x34: {  	[smem:$0x3FB6] =	sst s10  }
0x35: {  	s10 =	sld [smem:$0x3FB5];
	_ =	sdelay $0x3  }
0x36: {  	p1 =	seq.s32 s10, $0x1;
	s10 =	sld [smem:$0x3FB6];
	_ =	sdelay $0x3  }
0x37: {  	[smem:$0x3FB6] =	sst s10  }
0x38: {  	s10 =	sld [smem:$0x3FB7]  }
0x39: {  	_ = 	snop;
	(pc) =	sbr.ind lr, $3  }
0x3a: {  	_ = 	snop  }
0x3b: {  	_ = 	snop  }
0x3c: {  	p2 =	seq.s32 s10, $0x1;
	s10 =	sld [smem:$0x3FB6]  }
0x3d: {  	_ =	shalt  }
0x3e: {  	_ =	shalt  }
0x3f: {  	_ =	shalt  }
0x40: {  	_ =	shalt  }
0x41: {  	_ =	shalt  }
0x42: {  	_ =	shalt  }
0x43: {  	_ =	shalt  }
0x44: {  	_ =	shalt  }
0x45: {  	_ =	shalt  }
0x46: {  	_ =	shalt  }
0x47: {  	_ =	shalt  }
0x48: {  	_ =	shalt  }
0x49: {  	_ =	shalt  }
0x4a: {  	_ =	shalt  }
0x4b: {  	_ =	shalt  }
0x4c: {  	_ =	shalt  }
0x4d: {  	_ =	shalt  }
0x4e: {  	_ =	shalt  }
0x4f: {  	_ =	shalt  }
0x50: {  	_ =	shalt  }
0x51: {  	_ =	shalt  }
0x52: {  	_ =	shalt  }
0x53: {  	_ =	shalt  }
0x54: {  	_ =	shalt  }
0x55: {  	_ =	shalt  }
0x56: {  	_ =	shalt  }
0x57: {  	_ =	shalt  }
0x58: {  	_ =	shalt  }
0x59: {  	_ =	shalt  }
0x5a: {  	_ =	shalt  }
0x5b: {  	_ =	shalt  }
0x5c: {  	_ =	shalt  }
0x5d: {  	_ =	shalt  }
0x5e: {  	_ =	shalt  }
0x5f: {  	_ =	shalt  }
0x60: {  	_ =	shalt  }
0x61: {  	_ =	shalt  }
0x62: {  	_ =	shalt  }
0x63: {  	_ =	shalt  }
0x64: {  	_ =	shalt  }
0x65: {  	_ =	shalt  }
0x66: {  	_ =	shalt  }
0x67: {  	_ =	shalt  }
0x68: {  	_ =	shalt  }
0x69: {  	_ =	shalt  }
0x6a: {  	_ =	shalt  }
0x6b: {  	_ =	shalt  }
0x6c: {  	_ =	shalt  }
0x6d: {  	_ =	shalt  }
0x6e: {  	_ =	shalt  }
0x6f: {  	_ =	shalt  }
0x70: {  	_ =	shalt  }
0x71: {  	_ =	shalt  }
0x72: {  	_ =	shalt  }
0x73: {  	_ =	shalt  }
0x74: {  	_ =	shalt  }
0x75: {  	_ =	shalt  }
0x76: {  	_ =	shalt  }
0x77: {  	_ =	shalt  }
0x78: {  	_ =	shalt  }
0x79: {  	_ =	shalt  }
0x7a: {  	_ =	shalt  }
0x7b: {  	_ =	shalt  }
0x7c: {  	_ =	shalt  }
0x7d: {  	_ =	shalt  }
0x7e: {  	_ =	shalt  }
0x7f: {  	_ =	shalt  }
0x80: {  	_ =	shalt  }
0x81: {  	_ =	shalt  }
0x82: {  	_ =	shalt  }
0x83: {  	_ =	shalt  }
0x84: {  	_ =	shalt  }
0x85: {  	_ =	shalt  }
0x86: {  	_ =	shalt  }
0x87: {  	_ =	shalt  }
.Lfunc_end0:
.L_simem_size_0:
called_computation_lowered:
.L_overlay_start_0:
0x88: {  	s2 =	sld [smem:$0x3FD9]  }
0x89: {  	s3 =	sld [smem:$0x3FFE];
	_ =	sdelay $0x1  }
0x8a: {  	s1 =	srdreg.scid  }
0x8b: {  	s0 =	sand.u32 $0x1, s1  }
0x8c: {  	s17 =	sshll.u32 s0, $0xA;
	s2 =	sadd.s32 s3, s2  }
0x8d: {  	s2 =	sadd.s32 s2, s17  }
0x8e: {  	[smem:$0x3FC2] =	sst s2  }
0x8f: {  	_ = 	snop  }
0x90: {  	s2 =	sld [smem:$0x3FD0];
	(tm) =	ssettm $0x1  }
0x91: {  	s18 =	sld [smem:$0x3FFB];
	_ =	sdelay $0x3  }
0x92: {  	_ =	strace s18  }
0x93: {  	s3 =	sld [smem:$0x3FFC];
	_ =	sdelay $0x3  }
0x94: {  	_ =	strace s3  }
0x95: {  	s3 =	sld [smem:$0x3FFD];
	_ =	sdelay $0x3  }
0x96: {  	_ =	strace s3  }
0x97: {  	_ =	strace $0x8FFFFFFF  }
0x98: {  	s19 =	sld [smem:$0x3FDB];
	_ =	sdelay $0x1  }
0x99: {  	s4 =	simm.s32 $_scs_section_size  }
0x9a: {  	s5 =	simm.s32 $_size__tile_overlayer_lowered;
	s6 =	simm.s32 $_tile_overlayer_lowered  }
0x9b: {  	s22 =	simm.s32 $0x1BFF;
	s21 =	sshll.u32 s6, $0x1;
	s3 =	sadd.s32 s4, s19  }
0x9c: {  	s7 =	simm.s32 $0x0;
	s20 =	sshll.u32 s5, $0x1;
	s5 =	sadd.s32 s21, s3  }
0x9d: {  	[timem:s7], [sflag:s22] =	dma.local [hbm:s5], s20  }
0x9e: {  	_ =	swait.ge [sflag:s22], s20  }
0x9f: {  	s4 =	ssub.s32 $0x0, s20;
	[sflag:s22] =	ssyncset.done $0x0  }
0xa0: {  	[sflag:s22] =	ssyncadd.s32 s4;
	_ =	sdelay $0x1  }
0xa1: {  	s23 =	simm.s32 $0x1B8B  }
0xa2: {  	_ =	swait.ge [sflag:s23], $0x1  }
0xa3: {  	[sflag:s23] =	ssyncset.done $0x0  }
0xa4: {  	s25 =	simm.s32 $0x1B8E;
	s24 =	sld [smem:$0x3FFE];
	[sflag:s23] =	ssyncadd.s32 $0xFFFFFFFF  }
0xa5: {  	s26 =	simm.s32 $execute0_lowered;
	[smem:$0x3FD2] =	sst s25  }
0xa6: {  	s5 =	sshll.u32 s26, $0x1;
	_ =	strace $0x80000046;
	[dreg:$0x1] =	wrdreg $0xFFFFFFFF  }
0xa7: {  	s28 =	simm.s32 $_size_execute0_lowered;
	s3 =	sadd.s32 s3, s5;
	[dreg:$0x0] =	wrdreg $0x0  }
0xa8: {  	s5 =	sshll.u32 s28, $0x1;
	[dreg:$0x2] =	wrdreg s3  }
0xa9: {  	[dreg:$0x3] =	wrdreg s5  }
0xaa: {  	[dreg:$0x4] =	wrdreg $0xC0  }
0xab: {  	_ =	task [dreg:s7], $0x5FFFF  }
0xac: {  	[dreg:$0x1] =	wrdreg $0xFFFFFFFF  }
0xad: {  	[dreg:$0x0] =	wrdreg $0x60  }
0xae: {  	[dreg:$0x2] =	wrdreg s24  }
0xaf: {  	[dreg:$0x3] =	wrdreg s2  }
0xb0: {  	[dreg:$0x4] =	wrdreg $0x9  }
0xb1: {  	_ =	task.clear_ibuf [dreg:s7], $0x5FFFF;
	_ =	strace $0x90000046  }
0xb2: {  	s29 =	simm.s32 $0x9;
	_ =	strace $0x80000048  }
0xb3: {  	_ =	swait.ge [sflag:s29], $0x1  }
0xb4: {  	[sflag:s29] =	ssyncadd.s32 $0xFFFFFFFF  }
0xb5: {  	_ =	strace $0x90000048  }
0xb6: {  	_ =	sfence  }
0xb7: {  	s30 =	sld [smem:$0x0];
	_ =	sdelay $0x2  }
0xb8: {  	s31 =	sshll.u32 s1, $0xD;
	s1 =	sshrl.u32 s1, $0x2  }
0xb9: {  	s3 =	sand.u32 $0x4000, s31;
	s1 =	sadd.s32 s1, s30  }
0xba: {  	s0 =	sor.u32 s3, s0;
	s1 =	sshll.u32 s1, $0x11  }
0xbb: {  	s0 =	sor.u32 s1, s0  }
0xbc: {  	s0 =	sadd.s32 $0x8F2B, s0  }
0xbd: {  	[sflag:s0] =	ssyncadd.remote.s32 $0x1  }
0xbe: {  	_ =	sfence.sel $0xFFFF  }
0xbf: {  	[dreg:$0x0] =	wrdreg $0xFFFFFFFF;
	(pc) =	sbr.abs _section_cstart, $3  }
0xc0: {  	[dreg:$0x1] =	wrdreg $0xFFFFFFFF  }
0xc1: {  	_ =	task.clear_ibuf [dreg:s7], $0x2FFFF;
	_ =	strace $0x9FFFFFFF  }
0xc2: {  	(tm) =	ssettm $0x7FFFFFFF  }
0xc3: {  	_ =	shalt  }
tec
execute0_lowered:
.L_overlay_start_1:
0x0: {  	(tag) =	ssettag $0x1  }
0x1: {  	s4 =	rddreg [dreg:$0x0]  }
0x2: {  	s5 =	rddreg [dreg:$0x1]  }
0x3: {  	s2 =	simm.s32 $0x0;
	s3 =	srdreg.scid;
	s1 =	stileid.u32  }
0x4: {  	s14 =	simm.s32 $0x4000;
	s15 =	simm.s32 $0x100;
	s16 =	simm.s32 $0x6000  }
0x5: {  	s17 =	simm.s32 $0x180;
	s18 =	simm.s32 $0x8000;
	s19 =	simm.s32 $0x1  }
0x6: {  	s20 =	simm.s32 $0x2;
	s21 =	simm.s32 $0x3;
	s22 =	simm.s32 $0x4  }
0x7: {  	s23 =	simm.s32 $0x5;
	s24 =	simm.s32 $0x6;
	s25 =	simm.s32 $0x7  }
0x8: {  	s28 =	simm.s32 $0x0;
	s8 =	sand.u32 $0x1, s3;
	s3 =	sadd.s32 $0x187400, s4  }
0x9: {  	[smem:$0x7FF] =	sst s2;
	s6 =	sshll.u32 s1, $0xE;
	s9 =	sadd.s32 $0x24AA00, s4  }
0xa: {  	s12 =	sshll.u32 s1, $0x11;
	_ =	strace $0x80000047;
	s7 =	sshll.u32 s8, $0xD  }
0xb: {  	s26 =	ssub.s32 $0x2, s8;
	s12 =	sadd.s32 s12, s9;
	s13 =	sshll.u32 s8, $0x10  }
0xc: {  	s6 =	sor.u32 s7, s6;
	s29 =	sshrl.u32 s26, $0x1;
	s31 =	sadd.s32 s13, s12  }
0xd: {  	s12 =	simm.s32 $0x80;
	s13 =	simm.s32 $0x2000;
	s10 =	sshrl.u32 s6, $0x3  }
0xe: {  	s6 =	sshll.u32 s6, $0x3;
	s11 =	ssub.s32 s26, s29;
	s26 =	simm.s32 $0x8  }
0xf: {  	s4 =	sadd.s32 s5, s10;
	s30 =	sadd.s32 s6, s9;
	s9 =	smax.u32 s11, $0x1  }
0x10: {  	s10 =	sadd.s32 $0xC00, s31;
	s11 =	simm.s32 $0x9;
	s5 =	sadd.s32 $0xF000, s30  }
0x11: {  	s6 =	sadd.s32 $0xF400, s30;
	s7 =	sadd.s32 $0xF800, s30;
	s8 =	sadd.s32 $0xFC00, s30  }
.LBB2_1:
0x12: {  	[tilespmem:s2], [sflag:$0x9] =	stream.linear.gather [hbm4b:s4+s2], $0x2000, $0x38;
	[tilespmem:$0xA000] =	vst v63  }
0x13: {  	_ =	swait.ge [sflag:s11], $0x2000  }
0x14: {  	[sflag:s11] =	ssyncset.done $0x0  }
0x15: {  	[sflag:s11] =	ssyncadd.s32 $0xFFFFE000  }
0x16: {  	[tilespmem:s13], [sflag:$0x1] =	stream.indirect.gather [hbm4b:s3+s12], $0x40, s2, s12, $0xb8;
	[tilespmem:$0xA000] =	vst v63  }
0x17: {  	_ = 	snop  }
0x18: {  	[tilespmem:s14], [sflag:$0x2] =	stream.indirect.gather [hbm4b:s3+s12], $0x40, s12, s12, $0xb8;
	[tilespmem:$0xA000] =	vst v63  }
0x19: {  	_ = 	snop  }
0x1a: {  	[tilespmem:s16], [sflag:$0x3] =	stream.indirect.gather [hbm4b:s3+s12], $0x40, s15, s12, $0xb8;
	[tilespmem:$0xA000] =	vst v63  }
0x1b: {  	_ = 	snop  }
0x1c: {  	[tilespmem:s18], [sflag:$0x4] =	stream.indirect.gather [hbm4b:s3+s12], $0x40, s17, s12, $0xb8;
	[tilespmem:$0xA000] =	vst v63  }
0x1d: {  	_ =	swait.ge [sflag:s19], $0x2000  }
0x1e: {  	[sflag:s19] =	ssyncset.done $0x0  }
0x1f: {  	s29 =	sadd.s32 $0xFFFFF400, s10;
	[sflag:s19] =	ssyncadd.s32 $0xFFFFE000  }
0x20: {  	[hbm4b:s29+s2] =	stream.linear.scatter [tilespmem:s13], [sflag:$0x5], $0x2000, $0x38;
	[tilespmem:$0xA000] =	vst v63  }
0x21: {  	_ =	swait.ge [sflag:s20], $0x2000  }
0x22: {  	[sflag:s20] =	ssyncset.done $0x0  }
0x23: {  	s29 =	sadd.s32 $0xFFFFF800, s10;
	[sflag:s20] =	ssyncadd.s32 $0xFFFFE000  }
0x24: {  	[hbm4b:s29+s2] =	stream.linear.scatter [tilespmem:s14], [sflag:$0x6], $0x2000, $0x38;
	[tilespmem:$0xA000] =	vst v63  }
0x25: {  	_ =	swait.ge [sflag:s21], $0x2000  }
0x26: {  	[sflag:s21] =	ssyncset.done $0x0  }
0x27: {  	s29 =	sadd.s32 $0xFFFFFC00, s10;
	[sflag:s21] =	ssyncadd.s32 $0xFFFFE000  }
0x28: {  	[hbm4b:s29+s2] =	stream.linear.scatter [tilespmem:s16], [sflag:$0x7], $0x2000, $0x38;
	[tilespmem:$0xA000] =	vst v63  }
0x29: {  	_ =	swait.ge [sflag:s22], $0x2000  }
0x2a: {  	[sflag:s22] =	ssyncset.done $0x0  }
0x2b: {  	[sflag:s22] =	ssyncadd.s32 $0xFFFFE000  }
0x2c: {  	[hbm4b:s10+s2] =	stream.linear.scatter [tilespmem:s18], [sflag:$0x8], $0x2000, $0x38;
	[tilespmem:$0xA000] =	vst v63  }
0x2d: {  	_ =	swait.ge [sflag:s23], $0x2000  }
0x2e: {  	[sflag:s23] =	ssyncset.done $0x0  }
0x2f: {  	s29 =	simm.s32 $0x200;
	[sflag:s23] =	ssyncadd.s32 $0xFFFFE000  }
0x30: {  	[tilespmem:s13], [sflag:$0x1] =	stream.indirect.gather [hbm4b:s3+s12], $0x40, s29, s12, $0xb8;
	[tilespmem:$0xA000] =	vst v63  }
0x31: {  	_ =	swait.ge [sflag:s24], $0x2000  }
0x32: {  	[sflag:s24] =	ssyncset.done $0x0  }
0x33: {  	s29 =	simm.s32 $0x280;
	[sflag:s24] =	ssyncadd.s32 $0xFFFFE000  }
0x34: {  	[tilespmem:s14], [sflag:$0x2] =	stream.indirect.gather [hbm4b:s3+s12], $0x40, s29, s12, $0xb8;
	[tilespmem:$0xA000] =	vst v63  }
0x35: {  	_ =	swait.ge [sflag:s25], $0x2000  }
0x36: {  	[sflag:s25] =	ssyncset.done $0x0  }
0x37: {  	s29 =	simm.s32 $0x300;
	[sflag:s25] =	ssyncadd.s32 $0xFFFFE000  }
0x38: {  	[tilespmem:s16], [sflag:$0x3] =	stream.indirect.gather [hbm4b:s3+s12], $0x40, s29, s12, $0xb8;
	[tilespmem:$0xA000] =	vst v63  }
0x39: {  	_ =	swait.ge [sflag:s26], $0x2000  }
0x3a: {  	s31 =	simm.s32 $0x380;
	[sflag:s26] =	ssyncset.done $0x0  }
0x3b: {  	s30 =	sadd.s32 $0x1000, s10;
	s29 =	simm.s32 $0x800;
	[sflag:s26] =	ssyncadd.s32 $0xFFFFE000  }
.LBB2_2:
0x3c: {  	[tilespmem:s18], [sflag:$0x4] =	stream.indirect.gather [hbm4b:s3+s12], $0x40, s31, s12, $0xb8;
	[tilespmem:$0xA000] =	vst v63  }
0x3d: {  	s31 =	smov.u32 s29  }
0x3e: {  	p0 =	sne.s32 s29, $0x7000;
	s29 =	sadd.s32 $0x800, s29;
	_ =	swait.ge [sflag:s19], $0x2000  }
0x3f: {  	[sflag:s19] =	ssyncset.done $0x0  }
0x40: {  	s0 =	sadd.s32 $0xFFFFF400, s30;
	[sflag:s19] =	ssyncadd.s32 $0xFFFFE000  }
0x41: {  	[hbm4b:s0+s2] =	stream.linear.scatter [tilespmem:s13], [sflag:$0x5], $0x2000, $0x38;
	[tilespmem:$0xA000] =	vst v63  }
0x42: {  	_ =	swait.ge [sflag:s20], $0x2000  }
0x43: {  	[sflag:s20] =	ssyncset.done $0x0  }
0x44: {  	s0 =	sadd.s32 $0xFFFFF800, s30;
	[sflag:s20] =	ssyncadd.s32 $0xFFFFE000  }
0x45: {  	[hbm4b:s0+s2] =	stream.linear.scatter [tilespmem:s14], [sflag:$0x6], $0x2000, $0x38;
	[tilespmem:$0xA000] =	vst v63  }
0x46: {  	_ =	swait.ge [sflag:s21], $0x2000  }
0x47: {  	[sflag:s21] =	ssyncset.done $0x0  }
0x48: {  	s0 =	sadd.s32 $0xFFFFFC00, s30;
	[sflag:s21] =	ssyncadd.s32 $0xFFFFE000  }
0x49: {  	[hbm4b:s0+s2] =	stream.linear.scatter [tilespmem:s16], [sflag:$0x7], $0x2000, $0x38;
	[tilespmem:$0xA000] =	vst v63  }
0x4a: {  	_ =	swait.ge [sflag:s22], $0x2000  }
0x4b: {  	[sflag:s22] =	ssyncset.done $0x0  }
0x4c: {  	[sflag:s22] =	ssyncadd.s32 $0xFFFFE000  }
0x4d: {  	[hbm4b:s30+s2] =	stream.linear.scatter [tilespmem:s18], [sflag:$0x8], $0x2000, $0x38;
	[tilespmem:$0xA000] =	vst v63  }
0x4e: {  	_ =	swait.ge [sflag:s23], $0x2000  }
0x4f: {  	s0 =	sshra.s32 s31, $0x2;
	[sflag:s23] =	ssyncset.done $0x0  }
0x50: {  	s31 =	sadd.s32 $0x200, s0;
	[sflag:s23] =	ssyncadd.s32 $0xFFFFE000  }
0x51: {  	[tilespmem:s13], [sflag:$0x1] =	stream.indirect.gather [hbm4b:s3+s12], $0x40, s31, s12, $0xb8;
	[tilespmem:$0xA000] =	vst v63  }
0x52: {  	_ =	swait.ge [sflag:s24], $0x2000  }
0x53: {  	[sflag:s24] =	ssyncset.done $0x0  }
0x54: {  	s31 =	sadd.s32 $0x280, s0;
	[sflag:s24] =	ssyncadd.s32 $0xFFFFE000  }
0x55: {  	[tilespmem:s14], [sflag:$0x2] =	stream.indirect.gather [hbm4b:s3+s12], $0x40, s31, s12, $0xb8;
	[tilespmem:$0xA000] =	vst v63  }
0x56: {  	_ =	swait.ge [sflag:s25], $0x2000  }
0x57: {  	[sflag:s25] =	ssyncset.done $0x0  }
.Ltmp0:
0x58: {  	s31 =	sadd.s32 $0x300, s0;
	[sflag:s25] =	ssyncadd.s32 $0xFFFFE000;
	(pc) =	sbr.rel @p0 .LBB2_2-.Ltmp0, $4  }
0x59: {  	[tilespmem:s16], [sflag:$0x3] =	stream.indirect.gather [hbm4b:s3+s12], $0x40, s31, s12, $0xb8;
	[tilespmem:$0xA000] =	vst v63  }
0x5a: {  	_ =	swait.ge [sflag:s26], $0x2000  }
0x5b: {  	[sflag:s26] =	ssyncset.done $0x0  }
0x5c: {  	s30 =	sadd.s32 $0x1000, s30;
	s31 =	sadd.s32 $0x380, s0;
	[sflag:s26] =	ssyncadd.s32 $0xFFFFE000  }
0x5d: {  	[tilespmem:s18], [sflag:$0x4] =	stream.indirect.gather [hbm4b:s3+s12], $0x40, s31, s12, $0xb8;
	[tilespmem:$0xA000] =	vst v63  }
0x5e: {  	_ =	swait.ge [sflag:s19], $0x2000  }
0x5f: {  	[sflag:s19] =	ssyncset.done $0x0  }
0x60: {  	[sflag:s19] =	ssyncadd.s32 $0xFFFFE000  }
0x61: {  	[hbm4b:s5+s2] =	stream.linear.scatter [tilespmem:s13], [sflag:$0x5], $0x2000, $0x38;
	[tilespmem:$0xA000] =	vst v63  }
0x62: {  	_ =	swait.ge [sflag:s20], $0x2000  }
0x63: {  	[sflag:s20] =	ssyncset.done $0x0  }
0x64: {  	[sflag:s20] =	ssyncadd.s32 $0xFFFFE000  }
0x65: {  	[hbm4b:s6+s2] =	stream.linear.scatter [tilespmem:s14], [sflag:$0x6], $0x2000, $0x38;
	[tilespmem:$0xA000] =	vst v63  }
0x66: {  	_ =	swait.ge [sflag:s21], $0x2000  }
0x67: {  	[sflag:s21] =	ssyncset.done $0x0  }
0x68: {  	[sflag:s21] =	ssyncadd.s32 $0xFFFFE000  }
0x69: {  	[hbm4b:s7+s2] =	stream.linear.scatter [tilespmem:s16], [sflag:$0x7], $0x2000, $0x38;
	[tilespmem:$0xA000] =	vst v63  }
0x6a: {  	_ =	swait.ge [sflag:s22], $0x2000  }
0x6b: {  	[sflag:s22] =	ssyncset.done $0x0  }
0x6c: {  	[sflag:s22] =	ssyncadd.s32 $0xFFFFE000  }
0x6d: {  	[hbm4b:s8+s2] =	stream.linear.scatter [tilespmem:s18], [sflag:$0x8], $0x2000, $0x38;
	[tilespmem:$0xA000] =	vst v63  }
0x6e: {  	_ =	swait.ge [sflag:s23], $0x2000  }
0x6f: {  	[sflag:s23] =	ssyncset.done $0x0  }
0x70: {  	[sflag:s23] =	ssyncadd.s32 $0xFFFFE000  }
0x71: {  	_ =	swait.ge [sflag:s24], $0x2000  }
0x72: {  	[sflag:s24] =	ssyncset.done $0x0  }
0x73: {  	s28 =	sadd.s32 $0x1, s28;
	[sflag:s24] =	ssyncadd.s32 $0xFFFFE000  }
0x74: {  	p0 =	sne.s32 s28, s9;
	_ =	swait.ge [sflag:s25], $0x2000  }
.Ltmp1:
0x75: {  	[sflag:s25] =	ssyncset.done $0x0;
	(pc) =	sbr.rel @p0 .LBB2_1-.Ltmp1, $4  }
0x76: {  	[sflag:s25] =	ssyncadd.s32 $0xFFFFE000  }
0x77: {  	_ =	swait.ge [sflag:s26], $0x2000  }
0x78: {  	[sflag:s26] =	ssyncset.done $0x0  }
0x79: {  	[sflag:s26] =	ssyncadd.s32 $0xFFFFE000  }
0x7a: {  	_ =	sfence.sel $0x180000  }
0x7b: {  	[bflag:$0x0] =	sbarrier.arrive $0xFFFF  }
0x7c: {  	_ =	strace $0x90000047  }
0x7d: {  	[bflag:$0x2] =	sbarrier.arrive $0xFFFF  }
0x7e: {  	p0 =	sne.s32 s1, $0x0;
	s0 =	rddreg [dreg:$0x2]  }
0x7f: {  	s0 =	sadd.s32 @!p0 $0x100000, s0  }
0x80: {  	[sflag:s0] =	ssyncadd.tile.s32 @!p0 $0x1;
	_ =	shalt  }
.Lfunc_end2:
_tile_overlayer_lowered:
.L_overlay_start_2:
0x81: {  	(tag) =	ssettag $0x2  }
0x82: {  	s0 =	rddreg [dreg:$0x0];
	s2 =	stileid.u32  }
0x83: {  	s1 =	rddreg [dreg:$0x1];
	p0 =	sne.s32 s2, $0x0  }
0x84: {  	s3 =	rddreg [dreg:$0x2];
	[bflag:$0x3] =	sbarrier.arrive $0xFFFF;
	s2 =	simm.s32 @!p0 $0x1C09  }
0x85: {  	[timem:s3], [sflag:s2] =	dma.local @!p0 [hbm:s0], s1  }
0x86: {  	s0 =	simm.s32 @!p0 $0x9  }
0x87: {  	_ =	swait.ge @!p0 [sflag:s0], s1  }
0x88: {  	s1 =	ssub.s32 @!p0 $0x0, s1;
	[sflag:s0] =	ssyncset.done @!p0 $0x0  }
0x89: {  	[sflag:s0] =	ssyncadd.s32 @!p0 s1  }
0x8a: {  	[bflag:$0x3] =	sbarrier.arrive $0xFFFF  }
0x8b: {  	_ =	shalt  }

</sc_bundles>
